<compile_context>
chip_gen: v7x
topology: tpu7x:2x2x1
jax: 0.10.2.dev20260603
libtpu: 0.0.44.dev20260713+nightly
codegen_flags: <defaults>
</compile_context>

<pallas_src>
import functools
import math

import jax
import jax.numpy as jnp
from jax import lax
from jax.experimental import pallas as pl
from jax.experimental.pallas import tpu as pltpu
from jax.experimental.pallas import tpu_sc as plsc

IMG_W = 800.0
IMG_H = 320.0
NUM_OFFSETS = 72
NUM_STRIPS = 71
NUM_FEAT_SAMPLES = 36
NUM_LINE_GROUPS = 4
NMS_THRES = 50.0
CONF_THRES = 0.4
MAX_LANES = 8
PRE_NMS_K = 64
HF, WF = 40, 100

B, N, C = 4, 1000, 64
D = NUM_FEAT_SAMPLES * C
NPAD = 1024
NC = D // 128
GN = B * NPAD
RROWS = NC * GN

NW = 32
CHUNK = 128
PER_W_R = RROWS // NW
NBLK = PER_W_R // CHUNK
NCHUNK = NBLK * 2
NSLOT = 6
PREF = 4


@functools.lru_cache(maxsize=1)
def _sc_gather_make():
    mesh = plsc.VectorSubcoreMesh(core_axis_name="c", subcore_axis_name="s")

    @functools.partial(
        pl.kernel,
        out_type=jax.ShapeDtypeStruct((RROWS, 128), jnp.float32),
        mesh=mesh,
        scratch_types=[
            pltpu.VMEM((NCHUNK, CHUNK), jnp.int32),
            pltpu.VMEM((NSLOT, CHUNK, C), jnp.float32),
            pltpu.VMEM_SHARED((B * HF * WF, C), jnp.float32),
            pltpu.SemaphoreType.DMA((NSLOT,)),
            pltpu.SemaphoreType.DMA((NSLOT,)),
        ],
        compiler_params=pltpu.CompilerParams(use_tc_tiling_on_sc=False),
    )
    def k(table_hbm, idx_hbm, out_hbm, idx_v, rows_v, table_sh, gsem, wsem):
        wid = lax.axis_index("s") * 2 + lax.axis_index("c")
        rbase = wid * PER_W_R
        sid = lax.axis_index("s")
        seg = B * HF * WF // 16
        pltpu.sync_copy(table_hbm.at[pl.ds(sid * seg, seg)],
                        table_sh.at[pl.ds(sid * seg, seg)])
        pltpu.sync_copy(idx_hbm.at[wid], idx_v)
        plsc.subcore_barrier()

        def dst(t):
            return out_hbm.at[pl.ds(rbase + (t // 2) * CHUNK, CHUNK),
                              pl.ds((t % 2) * C, C)]

        def fire_gather(t, slot):
            return pltpu.async_copy(table_sh.at[idx_v.at[t]],
                                    rows_v.at[slot], gsem.at[slot])

        for t0 in range(PREF):
            fire_gather(t0, t0)

        def body(t, _):
            slot = lax.rem(t, NSLOT)
            pltpu.make_async_copy(table_sh.at[idx_v.at[t]],
                                  rows_v.at[slot], gsem.at[slot]).wait()
            pltpu.async_copy(rows_v.at[slot], dst(t), wsem.at[slot])
            nslot = lax.rem(t + PREF, NSLOT)

            @pl.when(t >= NSLOT - PREF)
            def _():
                pltpu.make_async_copy(rows_v.at[nslot],
                                      dst(t - (NSLOT - PREF)),
                                      wsem.at[nslot]).wait()

            @pl.when(t + PREF < NCHUNK)
            def _():
                fire_gather(t + PREF, nslot)

            return 0

        lax.fori_loop(0, NCHUNK, body, 0)
        for t in range(NCHUNK - (NSLOT - PREF), NCHUNK):
            pltpu.make_async_copy(rows_v.at[t % NSLOT], dst(t),
                                  wsem.at[t % NSLOT]).wait()

    return k


def _head_kernel(x_ref, id2_ref, w_ref, base_ref,
                 cls_ref, o2o_ref, ep_ref, xo_ref, lp_ref, acc_ref):
    idv = id2_ref[0]
    for c in range(NC):
        xc = x_ref[c, 0] + idv
        p = jnp.dot(xc, w_ref[c], preferred_element_type=jnp.float32)
        if c == 0:
            acc_ref[...] = p
        else:
            acc_ref[...] = acc_ref[...] + p
    raw = acc_ref[...]
    cls_ref[0, 0] = 1.0 / (1.0 + jnp.exp(-raw[:, 0]))
    o2o_ref[0, 0] = 1.0 / (1.0 + jnp.exp(-raw[:, 1]))
    ep_ref[0] = raw[:, 2:4]
    xo_ref[0] = raw[:, 4:76]
    base2 = base_ref[0]
    lp_ref[0] = raw[:, 76:84] + jnp.concatenate([base2] * 4, axis=1)


def _head(x_cm, id2, W18, base_pad, interpret=False):
    out_shapes = [
        jax.ShapeDtypeStruct((B, 1, NPAD), jnp.float32),
        jax.ShapeDtypeStruct((B, 1, NPAD), jnp.float32),
        jax.ShapeDtypeStruct((B, NPAD, 2), jnp.float32),
        jax.ShapeDtypeStruct((B, NPAD, 72), jnp.float32),
        jax.ShapeDtypeStruct((B, NPAD, 8), jnp.float32),
    ]
    out_specs = [
        pl.BlockSpec((1, 1, NPAD), lambda b: (b, 0, 0)),
        pl.BlockSpec((1, 1, NPAD), lambda b: (b, 0, 0)),
        pl.BlockSpec((1, NPAD, 2), lambda b: (b, 0, 0)),
        pl.BlockSpec((1, NPAD, 72), lambda b: (b, 0, 0)),
        pl.BlockSpec((1, NPAD, 8), lambda b: (b, 0, 0)),
    ]
    return pl.pallas_call(
        _head_kernel,
        grid=(B,),
        in_specs=[pl.BlockSpec((NC, 1, NPAD, 128), lambda b: (0, b, 0, 0)),
                  pl.BlockSpec((1, NPAD, 128), lambda b: (b, 0, 0)),
                  pl.BlockSpec((NC, 128, 128), lambda b: (0, 0, 0)),
                  pl.BlockSpec((1, NPAD, 2), lambda b: (b, 0, 0))],
        out_specs=out_specs,
        out_shape=out_shapes,
        scratch_shapes=[pltpu.VMEM((NPAD, 128), jnp.float32)],
        interpret=interpret,
    )(x_cm, id2, W18, base_pad)


def _nms_kernel(cls_ref, lx_ref, ki_ref, km_ref, dist_ref):
    neg = jnp.float32(-1.0)
    lin_row = jax.lax.broadcasted_iota(jnp.int32, (1, NPAD), 1)
    lin_col = jax.lax.broadcasted_iota(jnp.int32, (NPAD, 1), 0)
    iota64c = jax.lax.broadcasted_iota(jnp.int32, (PRE_NMS_K, 1), 0).astype(jnp.float32)
    idxf_col = lin_col.astype(jnp.float32)
    ones_col = jnp.ones((NPAD, 128), jnp.float32)

    ki_rows, ts_rows = [], []
    for b in range(B):
        s_row = jnp.where(lin_row < N, cls_ref[b, 0].reshape(1, NPAD), neg)
        s_col = s_row.reshape(NPAD, 1)
        beats = ((s_row > s_col) |
                 ((s_row == s_col) & (lin_row < lin_col))).astype(jnp.float32)
        rank_col = jnp.dot(beats, ones_col,
                           preferred_element_type=jnp.float32)[:, 0:1]
        onehot_t = (iota64c == rank_col.reshape(1, NPAD)).astype(jnp.float32)
        m = jnp.concatenate([idxf_col, s_col.reshape(NPAD, 1), lx_ref[b]],
                            axis=1)
        p = jax.lax.dot(onehot_t, m, precision=jax.lax.Precision.HIGHEST,
                        preferred_element_type=jnp.float32)
        ki_rows.append(p[:, 0].astype(jnp.int32))
        ts_rows.append(p[:, 1])
        xkt = p[:, 2:74].T
        diff = jnp.abs(xkt[:, :, None] - xkt[:, None, :])
        dist_ref[b] = jnp.sum(diff, axis=0) / 72.0

    ki_ref[:, 0, :] = jnp.stack(ki_rows, axis=0)
    top_s = jnp.stack(ts_rows, axis=0)

    idx64 = jax.lax.broadcasted_iota(jnp.int32, (1, PRE_NMS_K), 1)
    keep0 = (top_s >= CONF_THRES).astype(jnp.float32)

    def nms_body(i, keep):
        di = dist_ref[:, pl.ds(i, 1), :][:, 0, :]
        sup = ((di < NMS_THRES) & (idx64 > i)).astype(jnp.float32)
        ki = jnp.sum(jnp.where(idx64 == i, keep, 0.0), axis=1, keepdims=True)
        return keep * (1.0 - ki * sup)

    keep = jax.lax.fori_loop(0, PRE_NMS_K, nms_body, keep0)
    tri = (jax.lax.broadcasted_iota(jnp.int32, (PRE_NMS_K, PRE_NMS_K), 0)
           <= jax.lax.broadcasted_iota(jnp.int32, (PRE_NMS_K, PRE_NMS_K), 1)
           ).astype(jnp.float32)
    cum = jnp.dot(keep, tri, preferred_element_type=jnp.float32)
    km_ref[:, 0, :] = ((keep > 0.0) & (cum <= float(MAX_LANES))).astype(jnp.int32)


def _nms(cls_pad, lx_pad, interpret=False):
    out_shapes = [
        jax.ShapeDtypeStruct((B, 1, PRE_NMS_K), jnp.int32),
        jax.ShapeDtypeStruct((B, 1, PRE_NMS_K), jnp.int32),
    ]
    return pl.pallas_call(
        _nms_kernel,
        out_shape=out_shapes,
        scratch_shapes=[pltpu.VMEM((B, PRE_NMS_K, PRE_NMS_K), jnp.float32)],
        interpret=interpret,
    )(cls_pad, lx_pad)


def _sample_from_anchor(anchor_embeddings):
    ae = jax.lax.stop_gradient(anchor_embeddings)
    theta = ae[..., 0] * math.pi
    rho = ae[..., 1] * IMG_W
    ys = jnp.linspace(0.0, IMG_H - 1.0, NUM_OFFSETS)
    xs = (rho[..., None] - ys * jnp.sin(theta)[..., None]) / (jnp.cos(theta)[..., None] + 1e-6)
    ys_b = jnp.broadcast_to(ys, xs.shape)
    samples_car = jnp.stack([xs, ys_b], axis=-1)
    img_samples = jnp.stack([samples_car[..., 0], IMG_H - 1.0 - samples_car[..., 1]], axis=-1)
    anchor_samples = jnp.flip(samples_car, axis=-2)
    lin = jnp.linspace(0.0, 1.0, NUM_FEAT_SAMPLES)
    si = jnp.flip(NUM_STRIPS - (lin * NUM_STRIPS).astype(jnp.int32), axis=-1)
    grid = img_samples[:, :, si, :]
    grid_norm = grid / jnp.array([IMG_W, IMG_H], dtype=jnp.float32)
    return grid_norm, anchor_samples


def kernel(feat, anchor_embeddings, anchor_id, id_table, W_cls, W_o2o, W_reg, W_aux):
    grid_norm, anchor_samples = _sample_from_anchor(anchor_embeddings)

    px = jnp.clip(jnp.round(grid_norm[..., 0] * (WF - 1)), 0, WF - 1).astype(jnp.int32)
    py = jnp.clip(jnp.round(grid_norm[..., 1] * (HF - 1)), 0, HF - 1).astype(jnp.int32)
    lin_idx = py * WF + px
    gidx = (jnp.arange(B, dtype=jnp.int32)[:, None, None] * (HF * WF) + lin_idx)
    gidx = jnp.pad(gidx, [(0, 0), (0, NPAD - N), (0, 0)])
    gperm = (gidx.reshape(GN, NC, 2)
             .transpose(1, 0, 2)
             .reshape(NC, GN // CHUNK, CHUNK, 2)
             .transpose(0, 1, 3, 2))
    idx3 = gperm.reshape(NW, NCHUNK, CHUNK)

    flat = feat.transpose(0, 2, 3, 1).reshape(B * HF * WF, C)
    x_cm = _sc_gather_make()(flat, idx3).reshape(NC, B, NPAD, 128)

    id_emb = id_table[anchor_id]
    id2 = jnp.pad(jnp.concatenate([id_emb, id_emb], axis=-1),
                  [(0, 0), (0, NPAD - N), (0, 0)])

    W_all = jnp.concatenate(
        [W_cls, W_o2o, W_reg, W_aux,
         jnp.zeros((D, 128 - 84), jnp.float32)], axis=1)
    W18 = W_all.reshape(NC, 128, 128)

    base = jax.lax.stop_gradient(anchor_embeddings)
    pad_n = [(0, 0), (0, NPAD - N), (0, 0)]
    base_pad = jnp.pad(base, pad_n)

    (cls_p, o2o_p, ep_p, xo_p, lp_p) = _head(x_cm, id2, W18, base_pad)

    cls_pred = cls_p[:, 0, :N]
    cls_o2o = o2o_p[:, 0, :N]
    end_points = ep_p[:, :N]
    xs_offset = xo_p[:, :N]
    line_paras_group_reg = lp_p[:, :N].reshape(B, N, NUM_LINE_GROUPS, 2)

    lanereg_car_x = anchor_samples[..., 0] + xs_offset * IMG_W
    ys = jnp.linspace(0.0, IMG_H - 1.0, NUM_OFFSETS)
    y_img = IMG_H - 1.0 - jnp.flip(ys, axis=-1)
    lane_points_img = jnp.stack(
        [lanereg_car_x, jnp.broadcast_to(y_img, lanereg_car_x.shape)], axis=-1)

    lx_pad = jnp.pad(lanereg_car_x, pad_n)
    ki3, km3 = _nms(cls_p, lx_pad)
    keep_idx = ki3[:, 0]
    keep_mask = km3[:, 0].astype(bool)
    return (cls_pred, cls_o2o, end_points, xs_offset, line_paras_group_reg,
            lane_points_img, keep_idx, keep_mask)

# --- scband reference (transcript-rebuilt; emitter-appended) ---
"""Pipeline reference for scband-global-polar-head-36318243455486 (READ-ONLY COPY).

The authoritative reference and input builder live on the scoring server;
editing this copy changes nothing except your own understanding.
"""

import jax, jax.numpy as jnp
import numpy as np
import math

IMG_W = 800.0
IMG_H = 320.0
NUM_OFFSETS = 72
NUM_STRIPS = 71
NUM_FEAT_SAMPLES = 36
NUM_LINE_GROUPS = 4
NMS_THRES = 50.0
CONF_THRES = 0.4
MAX_LANES = 8
PRE_NMS_K = 64
HF, WF = 40, 100


def _sample_index():
    lin = jnp.linspace(0.0, 1.0, NUM_FEAT_SAMPLES)
    si = NUM_STRIPS - (lin * NUM_STRIPS).astype(jnp.int32)
    return jnp.flip(si, axis=-1)


def setup_inputs(seed: int = 0):
    key = jax.random.key(seed)
    ks = jax.random.split(key, 8)
    B, N, C = 4, 1000, 64
    D = NUM_FEAT_SAMPLES * C
    feat = jax.random.normal(ks[0], (B, C, HF, WF), dtype=jnp.float32)
    anchor_embeddings = jax.random.uniform(ks[1], (B, N, 2), dtype=jnp.float32, minval=0.05, maxval=0.95)
    anchor_id = jax.random.randint(ks[2], (B, N), 0, N)
    id_table = jax.random.normal(ks[3], (N, C), dtype=jnp.float32) * 0.02
    W_cls = jax.random.normal(ks[4], (D, 1), dtype=jnp.float32) * 0.02
    W_o2o = jax.random.normal(ks[5], (D, 1), dtype=jnp.float32) * 0.02
    W_reg = jax.random.normal(ks[6], (D, 2 + NUM_OFFSETS), dtype=jnp.float32) * 0.02
    W_aux = jax.random.normal(ks[7], (D, NUM_LINE_GROUPS * 2), dtype=jnp.float32) * 0.02
    return {"feat": feat, "anchor_embeddings": anchor_embeddings, "anchor_id": anchor_id,
            "id_table": id_table, "W_cls": W_cls, "W_o2o": W_o2o, "W_reg": W_reg, "W_aux": W_aux}


def _sample_from_anchor(anchor_embeddings):
    ae = jax.lax.stop_gradient(anchor_embeddings)  # detached in torch
    theta = ae[..., 0] * math.pi
    rho = ae[..., 1] * IMG_W
    ys = jnp.linspace(0.0, IMG_H - 1.0, NUM_OFFSETS)
    xs = (rho[..., None] - ys * jnp.sin(theta)[..., None]) / (jnp.cos(theta)[..., None] + 1e-6)
    ys_b = jnp.broadcast_to(ys, xs.shape)
    samples_car = jnp.stack([xs, ys_b], axis=-1)          # [B,N,O,2] cartesian
    img_samples = jnp.stack([samples_car[..., 0], IMG_H - 1.0 - samples_car[..., 1]], axis=-1)
    anchor_samples = jnp.flip(samples_car, axis=-2)        # lanereg_base_car
    si = _sample_index()
    grid = img_samples[:, :, si, :]
    grid_norm = grid / jnp.array([IMG_W, IMG_H], dtype=jnp.float32)
    return grid_norm, anchor_samples


def _cartesian2img(pts):
    return jnp.stack([pts[..., 0], IMG_H - 1.0 - pts[..., 1]], axis=-1)


def _gather_feat(feat, grid_norm, anchor_id, id_table):
    B, C = feat.shape[0], feat.shape[1]
    px = jnp.clip(jnp.round(grid_norm[..., 0] * (WF - 1)), 0, WF - 1).astype(jnp.int32)
    py = jnp.clip(jnp.round(grid_norm[..., 1] * (HF - 1)), 0, HF - 1).astype(jnp.int32)
    lin_idx = py * WF + px                                  # [B,N,S]
    flat = feat.transpose(0, 2, 3, 1).reshape(B, HF * WF, C)
    sampled = jax.vmap(lambda f, i: f[i])(flat, lin_idx)    # [B,N,S,C] gather
    id_emb = id_table[anchor_id]                            # [B,N,C] embedding gather
    sampled = sampled + id_emb[:, :, None, :]
    return sampled.reshape(B, sampled.shape[1], -1)


def reference(feat, anchor_embeddings, anchor_id, id_table, W_cls, W_o2o, W_reg, W_aux):
    grid_norm, anchor_samples = _sample_from_anchor(anchor_embeddings)
    x_flat = _gather_feat(feat, grid_norm, anchor_id, id_table)
    cls_pred = jax.nn.sigmoid(x_flat @ W_cls)[..., 0]
    cls_o2o = jax.nn.sigmoid(x_flat @ W_o2o)[..., 0]
    reg_pred = x_flat @ W_reg
    reg_aux = x_flat @ W_aux
    B, N = cls_pred.shape
    base = jax.lax.stop_gradient(anchor_embeddings)[:, :, None, :]
    line_paras_group_reg = reg_aux.reshape(B, N, NUM_LINE_GROUPS, 2) + base
    end_points = reg_pred[..., 0:2]
    xs_offset = reg_pred[..., 2:]
    lanereg_car_x = anchor_samples[..., 0] + xs_offset * IMG_W
    lanereg_car = jnp.stack([lanereg_car_x, anchor_samples[..., 1]], axis=-1)
    lane_points_img = _cartesian2img(lanereg_car)           # [B,N,O,2]

    def nms_one(scores, lane_xs):
        top_s, top_i = jax.lax.top_k(scores, PRE_NMS_K)
        xk = lane_xs[top_i]                                 # [K,O]
        dist = jnp.mean(jnp.abs(xk[:, None, :] - xk[None, :, :]), axis=-1)
        keep0 = top_s >= CONF_THRES
        idx = jnp.arange(PRE_NMS_K)
        def body(i, keep):
            sup = (dist[i] < NMS_THRES) & (idx > i)
            return jnp.where(keep[i], keep & (~sup), keep)
        keep = jax.lax.fori_loop(0, PRE_NMS_K, body, keep0)
        keep = keep & (jnp.cumsum(keep.astype(jnp.int32)) <= MAX_LANES)
        return top_i, keep

    keep_idx, keep_mask = jax.vmap(nms_one)(cls_pred, lane_points_img[..., 0])
    return (cls_pred, cls_o2o, end_points, xs_offset, line_paras_group_reg, lane_points_img, keep_idx, keep_mask)

if __name__ == "__main__":
    import jax
    _d = setup_inputs()
    print(jax.jit(kernel)(*tuple(_d.values())))

</pallas_src>

<mosaic_0001>
#map = affine_map<(d0, d1) -> (0, 0)>
#map1 = affine_map<(d0, d1) -> (0, 0, 0)>
module attributes {stable_mosaic.version = 14 : i64} {
  func.func @k(%arg0: i32, %arg1: i32, %arg2: memref<16000x64xf32, #tpu.memory_space<hbm>>, %arg3: memref<32x36x128xi32, #tpu.memory_space<hbm>>, %arg4: memref<73728x128xf32, #tpu.memory_space<hbm>>, %arg5: memref<36x128xi32, #tpu.memory_space<vmem>>, %arg6: memref<6x128x64xf32, #tpu.memory_space<vmem>>, %arg7: memref<16000x64xf32, #tpu.memory_space<vmem_shared>>, %arg8: memref<6x!tpu.dma_semaphore, #tpu.memory_space<semaphore_mem>>, %arg9: memref<6x!tpu.dma_semaphore, #tpu.memory_space<semaphore_mem>>) attributes {dimension_semantics = [#tpu.dimension_semantics<core_parallel>, #tpu.dimension_semantics<subcore_parallel>], iteration_bounds = array<i64: 2, 16>, scalar_prefetch = 0 : i64, scratch_operands = 5 : i64, tpu.core_type = #tpu.core_type<sc_vector_subcore>, window_params = [{transform_indices = #map}, {transform_indices = #map1}, {transform_indices = #map}]} {
    %mul3A = arith.constant 2 : i32
    %mul3A_0 = arith.muli %arg1, %mul3A : i32
    %add3A = arith.addi %mul3A_0, %arg0 : i32
    %mul3A_1 = arith.constant 2304 : i32
    %mul3A_2 = arith.muli %add3A, %mul3A_1 : i32
    %mul3A_3 = arith.constant 1000 : i32
    %mul3A_4 = arith.muli %arg1, %mul3A_3 : i32
    %mul3A_5 = arith.constant 1000 : i32
    %mul3A_6 = arith.muli %arg1, %mul3A_5 : i32
    "tpu.region"() ({
      %run_scoped3A = tpu.sem_alloc : memref<!tpu.dma_semaphore, #tpu.memory_space<semaphore_mem>>
      %dma_start3A_107 = arith.constant 0 : i32
      %dma_start3A_108 = tpu.memref_slice %arg7[%mul3A_6, %dma_start3A_107] : memref<16000x64xf32, #tpu.memory_space<vmem_shared>> -> memref<1000x64xf32, #tpu.memory_space<vmem_shared>>
      %dma_start3A_109 = arith.constant 0 : i32
      %dma_start3A_110 = tpu.memref_slice %arg2[%mul3A_4, %dma_start3A_109] : memref<16000x64xf32, #tpu.memory_space<hbm>> -> memref<1000x64xf32, #tpu.memory_space<hbm>>
      tpu.enqueue_dma source(%dma_start3A_110 : memref<1000x64xf32, #tpu.memory_space<hbm>>) target(%dma_start3A_108 : memref<1000x64xf32, #tpu.memory_space<vmem_shared>>) target_semaphore(%run_scoped3A : memref<!tpu.dma_semaphore, #tpu.memory_space<semaphore_mem>>)
      %dma_wait3A_111 = arith.constant 0 : i32
      %dma_wait3A_112 = tpu.memref_slice %arg7[%mul3A_6, %dma_wait3A_111] : memref<16000x64xf32, #tpu.memory_space<vmem_shared>> -> memref<1000x64xf32, #tpu.memory_space<vmem_shared>>
      %dma_wait3A_113 = arith.constant 0 : i32
      %dma_wait3A_114 = tpu.memref_slice %arg2[%mul3A_4, %dma_wait3A_113] : memref<16000x64xf32, #tpu.memory_space<hbm>> -> memref<1000x64xf32, #tpu.memory_space<hbm>>
      tpu.wait_dma2 semaphore(%run_scoped3A : memref<!tpu.dma_semaphore, #tpu.memory_space<semaphore_mem>>) src(%dma_wait3A_114 : memref<1000x64xf32, #tpu.memory_space<hbm>>) dst(%dma_wait3A_112 : memref<1000x64xf32, #tpu.memory_space<vmem_shared>>)
      tpu.yield
    }) : () -> ()
    "tpu.region"() ({
      %run_scoped3A = tpu.sem_alloc : memref<!tpu.dma_semaphore, #tpu.memory_space<semaphore_mem>>
      %dma_start3A_107 = arith.constant 0 : i32
      %dma_start3A_108 = arith.constant 0 : i32
      %dma_start3A_109 = tpu.memref_slice %arg3[%add3A, %dma_start3A_107, %dma_start3A_108] : memref<32x36x128xi32, #tpu.memory_space<hbm>> -> memref<1x36x128xi32, #tpu.memory_space<hbm>>
      %dma_start3A_110 = tpu.memref_squeeze %dma_start3A_109 : memref<1x36x128xi32, #tpu.memory_space<hbm>> -> memref<36x128xi32, #tpu.memory_space<hbm>>
      %dma_start3A_111 = arith.constant 0 : i32
      %dma_start3A_112 = arith.constant 0 : i32
      %dma_start3A_113 = tpu.memref_slice %arg3[%add3A, %dma_start3A_111, %dma_start3A_112] : memref<32x36x128xi32, #tpu.memory_space<hbm>> -> memref<1x36x128xi32, #tpu.memory_space<hbm>>
      %dma_start3A_114 = tpu.memref_squeeze %dma_start3A_113 : memref<1x36x128xi32, #tpu.memory_space<hbm>> -> memref<36x128xi32, #tpu.memory_space<hbm>>
      tpu.enqueue_dma source(%dma_start3A_114 : memref<36x128xi32, #tpu.memory_space<hbm>>) target(%arg5 : memref<36x128xi32, #tpu.memory_space<vmem>>) target_semaphore(%run_scoped3A : memref<!tpu.dma_semaphore, #tpu.memory_space<semaphore_mem>>)
      %dma_wait3A_115 = arith.constant 0 : i32
      %dma_wait3A_116 = arith.constant 0 : i32
      %dma_wait3A_117 = tpu.memref_slice %arg3[%add3A, %dma_wait3A_115, %dma_wait3A_116] : memref<32x36x128xi32, #tpu.memory_space<hbm>> -> memref<1x36x128xi32, #tpu.memory_space<hbm>>
      %dma_wait3A_118 = tpu.memref_squeeze %dma_wait3A_117 : memref<1x36x128xi32, #tpu.memory_space<hbm>> -> memref<36x128xi32, #tpu.memory_space<hbm>>
      %dma_wait3A_119 = arith.constant 0 : i32
      %dma_wait3A_120 = arith.constant 0 : i32
      %dma_wait3A_121 = tpu.memref_slice %arg3[%add3A, %dma_wait3A_119, %dma_wait3A_120] : memref<32x36x128xi32, #tpu.memory_space<hbm>> -> memref<1x36x128xi32, #tpu.memory_space<hbm>>
      %dma_wait3A_122 = tpu.memref_squeeze %dma_wait3A_121 : memref<1x36x128xi32, #tpu.memory_space<hbm>> -> memref<36x128xi32, #tpu.memory_space<hbm>>
      tpu.wait_dma2 semaphore(%run_scoped3A : memref<!tpu.dma_semaphore, #tpu.memory_space<semaphore_mem>>) src(%dma_wait3A_122 : memref<36x128xi32, #tpu.memory_space<hbm>>) dst(%arg5 : memref<36x128xi32, #tpu.memory_space<vmem>>)
      tpu.yield
    }) : () -> ()
    %barrier3A = arith.constant 0 : index
    tpu.barrier barrier_id(%barrier3A)
    %dma_start3A = arith.constant 0 : i32
    %dma_start3A_7 = arith.constant 0 : i32
    %dma_start3A_8 = arith.constant 0 : i32
    %dma_start3A_9 = arith.constant 0 : i32
    %dma_start3A_10 = arith.constant 0 : i32
    %dma_start3A_11 = tpu.memref_slice %arg6[%dma_start3A_7, %dma_start3A_9, %dma_start3A_10] : memref<6x128x64xf32, #tpu.memory_space<vmem>> -> memref<1x128x64xf32, #tpu.memory_space<vmem>>
    %dma_start3A_12 = tpu.memref_squeeze %dma_start3A_11 : memref<1x128x64xf32, #tpu.memory_space<vmem>> -> memref<128x64xf32, #tpu.memory_space<vmem>>
    %dma_start3A_13 = arith.constant 0 : i32
    %dma_start3A_14 = tpu.memref_slice %arg5[%dma_start3A, %dma_start3A_13] : memref<36x128xi32, #tpu.memory_space<vmem>> -> memref<1x128xi32, #tpu.memory_space<vmem>>
    %dma_start3A_15 = tpu.memref_squeeze %dma_start3A_14 : memref<1x128xi32, #tpu.memory_space<vmem>> -> memref<128xi32, #tpu.memory_space<vmem>>
    %dma_start3A_16 = arith.constant 0 : i32
    %dma_start3A_17 = arith.constant 0 : i32
    %dma_start3A_18 = tpu.memref_slice %arg7[%dma_start3A_16, %dma_start3A_17] : memref<16000x64xf32, #tpu.memory_space<vmem_shared>> -> memref<16000x64xf32, #tpu.memory_space<vmem_shared>>
    %dma_start3A_19 = tpu.memref_slice %arg8[%dma_start3A_8] : memref<6x!tpu.dma_semaphore, #tpu.memory_space<semaphore_mem>> -> memref<1x!tpu.dma_semaphore, #tpu.memory_space<semaphore_mem>>
    %dma_start3A_20 = tpu.memref_squeeze %dma_start3A_19 : memref<1x!tpu.dma_semaphore, #tpu.memory_space<semaphore_mem>> -> memref<!tpu.dma_semaphore, #tpu.memory_space<semaphore_mem>>
    tpu.enqueue_indirect_dma source(%dma_start3A_18 : memref<16000x64xf32, #tpu.memory_space<vmem_shared>>) target(%dma_start3A_12 : memref<128x64xf32, #tpu.memory_space<vmem>>) offsets(%dma_start3A_15 : memref<128xi32, #tpu.memory_space<vmem>>) semaphore(%dma_start3A_20 : memref<!tpu.dma_semaphore, #tpu.memory_space<semaphore_mem>>)
    %dma_start3A_21 = arith.constant 1 : i32
    %dma_start3A_22 = arith.constant 1 : i32
    %dma_start3A_23 = arith.constant 1 : i32
    %dma_start3A_24 = arith.constant 0 : i32
    %dma_start3A_25 = arith.constant 0 : i32
    %dma_start3A_26 = tpu.memref_slice %arg6[%dma_start3A_22, %dma_start3A_24, %dma_start3A_25] : memref<6x128x64xf32, #tpu.memory_space<vmem>> -> memref<1x128x64xf32, #tpu.memory_space<vmem>>
    %dma_start3A_27 = tpu.memref_squeeze %dma_start3A_26 : memref<1x128x64xf32, #tpu.memory_space<vmem>> -> memref<128x64xf32, #tpu.memory_space<vmem>>
    %dma_start3A_28 = arith.constant 0 : i32
    %dma_start3A_29 = tpu.memref_slice %arg5[%dma_start3A_21, %dma_start3A_28] : memref<36x128xi32, #tpu.memory_space<vmem>> -> memref<1x128xi32, #tpu.memory_space<vmem>>
    %dma_start3A_30 = tpu.memref_squeeze %dma_start3A_29 : memref<1x128xi32, #tpu.memory_space<vmem>> -> memref<128xi32, #tpu.memory_space<vmem>>
    %dma_start3A_31 = arith.constant 0 : i32
    %dma_start3A_32 = arith.constant 0 : i32
    %dma_start3A_33 = tpu.memref_slice %arg7[%dma_start3A_31, %dma_start3A_32] : memref<16000x64xf32, #tpu.memory_space<vmem_shared>> -> memref<16000x64xf32, #tpu.memory_space<vmem_shared>>
    %dma_start3A_34 = tpu.memref_slice %arg8[%dma_start3A_23] : memref<6x!tpu.dma_semaphore, #tpu.memory_space<semaphore_mem>> -> memref<1x!tpu.dma_semaphore, #tpu.memory_space<semaphore_mem>>
    %dma_start3A_35 = tpu.memref_squeeze %dma_start3A_34 : memref<1x!tpu.dma_semaphore, #tpu.memory_space<semaphore_mem>> -> memref<!tpu.dma_semaphore, #tpu.memory_space<semaphore_mem>>
    tpu.enqueue_indirect_dma source(%dma_start3A_33 : memref<16000x64xf32, #tpu.memory_space<vmem_shared>>) target(%dma_start3A_27 : memref<128x64xf32, #tpu.memory_space<vmem>>) offsets(%dma_start3A_30 : memref<128xi32, #tpu.memory_space<vmem>>) semaphore(%dma_start3A_35 : memref<!tpu.dma_semaphore, #tpu.memory_space<semaphore_mem>>)
    %dma_start3A_36 = arith.constant 2 : i32
    %dma_start3A_37 = arith.constant 2 : i32
    %dma_start3A_38 = arith.constant 2 : i32
    %dma_start3A_39 = arith.constant 0 : i32
    %dma_start3A_40 = arith.constant 0 : i32
    %dma_start3A_41 = tpu.memref_slice %arg6[%dma_start3A_37, %dma_start3A_39, %dma_start3A_40] : memref<6x128x64xf32, #tpu.memory_space<vmem>> -> memref<1x128x64xf32, #tpu.memory_space<vmem>>
    %dma_start3A_42 = tpu.memref_squeeze %dma_start3A_41 : memref<1x128x64xf32, #tpu.memory_space<vmem>> -> memref<128x64xf32, #tpu.memory_space<vmem>>
    %dma_start3A_43 = arith.constant 0 : i32
    %dma_start3A_44 = tpu.memref_slice %arg5[%dma_start3A_36, %dma_start3A_43] : memref<36x128xi32, #tpu.memory_space<vmem>> -> memref<1x128xi32, #tpu.memory_space<vmem>>
    %dma_start3A_45 = tpu.memref_squeeze %dma_start3A_44 : memref<1x128xi32, #tpu.memory_space<vmem>> -> memref<128xi32, #tpu.memory_space<vmem>>
    %dma_start3A_46 = arith.constant 0 : i32
    %dma_start3A_47 = arith.constant 0 : i32
    %dma_start3A_48 = tpu.memref_slice %arg7[%dma_start3A_46, %dma_start3A_47] : memref<16000x64xf32, #tpu.memory_space<vmem_shared>> -> memref<16000x64xf32, #tpu.memory_space<vmem_shared>>
    %dma_start3A_49 = tpu.memref_slice %arg8[%dma_start3A_38] : memref<6x!tpu.dma_semaphore, #tpu.memory_space<semaphore_mem>> -> memref<1x!tpu.dma_semaphore, #tpu.memory_space<semaphore_mem>>
    %dma_start3A_50 = tpu.memref_squeeze %dma_start3A_49 : memref<1x!tpu.dma_semaphore, #tpu.memory_space<semaphore_mem>> -> memref<!tpu.dma_semaphore, #tpu.memory_space<semaphore_mem>>
    tpu.enqueue_indirect_dma source(%dma_start3A_48 : memref<16000x64xf32, #tpu.memory_space<vmem_shared>>) target(%dma_start3A_42 : memref<128x64xf32, #tpu.memory_space<vmem>>) offsets(%dma_start3A_45 : memref<128xi32, #tpu.memory_space<vmem>>) semaphore(%dma_start3A_50 : memref<!tpu.dma_semaphore, #tpu.memory_space<semaphore_mem>>)
    %dma_start3A_51 = arith.constant 3 : i32
    %dma_start3A_52 = arith.constant 3 : i32
    %dma_start3A_53 = arith.constant 3 : i32
    %dma_start3A_54 = arith.constant 0 : i32
    %dma_start3A_55 = arith.constant 0 : i32
    %dma_start3A_56 = tpu.memref_slice %arg6[%dma_start3A_52, %dma_start3A_54, %dma_start3A_55] : memref<6x128x64xf32, #tpu.memory_space<vmem>> -> memref<1x128x64xf32, #tpu.memory_space<vmem>>
    %dma_start3A_57 = tpu.memref_squeeze %dma_start3A_56 : memref<1x128x64xf32, #tpu.memory_space<vmem>> -> memref<128x64xf32, #tpu.memory_space<vmem>>
    %dma_start3A_58 = arith.constant 0 : i32
    %dma_start3A_59 = tpu.memref_slice %arg5[%dma_start3A_51, %dma_start3A_58] : memref<36x128xi32, #tpu.memory_space<vmem>> -> memref<1x128xi32, #tpu.memory_space<vmem>>
    %dma_start3A_60 = tpu.memref_squeeze %dma_start3A_59 : memref<1x128xi32, #tpu.memory_space<vmem>> -> memref<128xi32, #tpu.memory_space<vmem>>
    %dma_start3A_61 = arith.constant 0 : i32
    %dma_start3A_62 = arith.constant 0 : i32
    %dma_start3A_63 = tpu.memref_slice %arg7[%dma_start3A_61, %dma_start3A_62] : memref<16000x64xf32, #tpu.memory_space<vmem_shared>> -> memref<16000x64xf32, #tpu.memory_space<vmem_shared>>
    %dma_start3A_64 = tpu.memref_slice %arg8[%dma_start3A_53] : memref<6x!tpu.dma_semaphore, #tpu.memory_space<semaphore_mem>> -> memref<1x!tpu.dma_semaphore, #tpu.memory_space<semaphore_mem>>
    %dma_start3A_65 = tpu.memref_squeeze %dma_start3A_64 : memref<1x!tpu.dma_semaphore, #tpu.memory_space<semaphore_mem>> -> memref<!tpu.dma_semaphore, #tpu.memory_space<semaphore_mem>>
    tpu.enqueue_indirect_dma source(%dma_start3A_63 : memref<16000x64xf32, #tpu.memory_space<vmem_shared>>) target(%dma_start3A_57 : memref<128x64xf32, #tpu.memory_space<vmem>>) offsets(%dma_start3A_60 : memref<128xi32, #tpu.memory_space<vmem>>) semaphore(%dma_start3A_65 : memref<!tpu.dma_semaphore, #tpu.memory_space<semaphore_mem>>)
    %scan3A = arith.constant 0 : i32
    %scan3A_66 = arith.constant 0 : i32
    %scan3A_67 = arith.constant 36 : i32
    %scan3A_68 = arith.addi %scan3A_66, %scan3A_67 : i32
    %scan3A_69 = arith.constant 1 : i32
    %scan3A_70 = scf.for %scan3A_107 = %scan3A_66 to %scan3A_68 step %scan3A_69 iter_args(%scan3A_108 = %scan3A) -> (i32)  : i32 {
      %rem3A = arith.constant 6 : i32
      %rem3A_109 = arith.remsi %scan3A_107, %rem3A : i32
      %dma_wait3A_110 = arith.constant 0 : i32
      %dma_wait3A_111 = arith.constant 0 : i32
      %dma_wait3A_112 = tpu.memref_slice %arg6[%rem3A_109, %dma_wait3A_110, %dma_wait3A_111] : memref<6x128x64xf32, #tpu.memory_space<vmem>> -> memref<1x128x64xf32, #tpu.memory_space<vmem>>
      %dma_wait3A_113 = tpu.memref_squeeze %dma_wait3A_112 : memref<1x128x64xf32, #tpu.memory_space<vmem>> -> memref<128x64xf32, #tpu.memory_space<vmem>>
      %dma_wait3A_114 = arith.constant 0 : i32
      %dma_wait3A_115 = tpu.memref_slice %arg5[%scan3A_107, %dma_wait3A_114] : memref<36x128xi32, #tpu.memory_space<vmem>> -> memref<1x128xi32, #tpu.memory_space<vmem>>
      %dma_wait3A_116 = tpu.memref_squeeze %dma_wait3A_115 : memref<1x128xi32, #tpu.memory_space<vmem>> -> memref<128xi32, #tpu.memory_space<vmem>>
      %dma_wait3A_117 = arith.constant 0 : i32
      %dma_wait3A_118 = arith.constant 0 : i32
      %dma_wait3A_119 = tpu.memref_slice %arg7[%dma_wait3A_117, %dma_wait3A_118] : memref<16000x64xf32, #tpu.memory_space<vmem_shared>> -> memref<16000x64xf32, #tpu.memory_space<vmem_shared>>
      %dma_wait3A_120 = tpu.memref_slice %arg8[%rem3A_109] : memref<6x!tpu.dma_semaphore, #tpu.memory_space<semaphore_mem>> -> memref<1x!tpu.dma_semaphore, #tpu.memory_space<semaphore_mem>>
      %dma_wait3A_121 = tpu.memref_squeeze %dma_wait3A_120 : memref<1x!tpu.dma_semaphore, #tpu.memory_space<semaphore_mem>> -> memref<!tpu.dma_semaphore, #tpu.memory_space<semaphore_mem>>
      tpu.wait_indirect_dma semaphore(%dma_wait3A_121 : memref<!tpu.dma_semaphore, #tpu.memory_space<semaphore_mem>>) src(%dma_wait3A_119 : memref<16000x64xf32, #tpu.memory_space<vmem_shared>>) dst(%dma_wait3A_113 : memref<128x64xf32, #tpu.memory_space<vmem>>)
      %jit3A = arith.constant 2 : i32
      %div3A = arith.divsi %scan3A_107, %jit3A : i32
      %sign3A = arith.constant 0 : i32
      %sign3A_122 = arith.cmpi sgt, %scan3A_107, %sign3A : i32
      %sign3A_123 = arith.extui %sign3A_122 : i1 to i32
      %sign3A_124 = arith.constant 0 : i32
      %sign3A_125 = arith.cmpi slt, %scan3A_107, %sign3A_124 : i32
      %sign3A_126 = arith.extui %sign3A_125 : i1 to i32
      %sign3A_127 = arith.subi %sign3A_123, %sign3A_126 : i32
      %sign3A_128 = arith.constant 0 : i32
      %sign3A_129 = arith.cmpi sgt, %jit3A, %sign3A_128 : i32
      %sign3A_130 = arith.extui %sign3A_129 : i1 to i32
      %sign3A_131 = arith.constant 0 : i32
      %sign3A_132 = arith.cmpi slt, %jit3A, %sign3A_131 : i32
      %sign3A_133 = arith.extui %sign3A_132 : i1 to i32
      %sign3A_134 = arith.subi %sign3A_130, %sign3A_133 : i32
      %ne3A = arith.cmpi ne, %sign3A_127, %sign3A_134 : i32
      %rem3A_135 = arith.remsi %scan3A_107, %jit3A : i32
      %ne3A_136 = arith.constant 0 : i32
      %ne3A_137 = arith.cmpi ne, %rem3A_135, %ne3A_136 : i32
      %and3A = arith.andi %ne3A, %ne3A_137 : i1
      %sub3A = arith.constant 1 : i32
      %sub3A_138 = arith.subi %div3A, %sub3A : i32
      %select_n3A = arith.select %and3A, %sub3A_138, %div3A : i32
      %mul3A_139 = arith.constant 128 : i32
      %mul3A_140 = arith.muli %select_n3A, %mul3A_139 : i32
      %add3A_141 = arith.addi %mul3A_2, %mul3A_140 : i32
      %jit3A_142 = arith.constant 2 : i32
      %eq3A = arith.constant 0 : i32
      %eq3A_143 = arith.cmpi eq, %jit3A_142, %eq3A : i32
      %jit3A_144 = arith.constant 1 : i32
      %select_n3A_145 = arith.select %eq3A_143, %jit3A_144, %jit3A_142 : i32
      %rem3A_146 = arith.remsi %scan3A_107, %select_n3A_145 : i32
      %ne3A_147 = arith.constant 0 : i32
      %ne3A_148 = arith.cmpi ne, %rem3A_146, %ne3A_147 : i32
      %lt3A = arith.constant 0 : i32
      %lt3A_149 = arith.cmpi slt, %rem3A_146, %lt3A : i32
      %lt3A_150 = arith.constant 0 : i32
      %lt3A_151 = arith.cmpi slt, %select_n3A_145, %lt3A_150 : i32
      %ne3A_152 = arith.xori %lt3A_149, %lt3A_151 : i1
      %and3A_153 = arith.andi %ne3A_152, %ne3A_148 : i1
      %add3A_154 = arith.addi %rem3A_146, %select_n3A_145 : i32
      %select_n3A_155 = arith.select %and3A_153, %add3A_154, %rem3A_146 : i32
      %mul3A_156 = arith.constant 64 : i32
      %mul3A_157 = arith.muli %select_n3A_155, %mul3A_156 : i32
      %dma_start3A_158 = arith.constant 0 : i32
      %dma_start3A_159 = arith.constant 0 : i32
      %dma_start3A_160 = tpu.memref_slice %arg6[%rem3A_109, %dma_start3A_158, %dma_start3A_159] : memref<6x128x64xf32, #tpu.memory_space<vmem>> -> memref<1x128x64xf32, #tpu.memory_space<vmem>>
      %dma_start3A_161 = tpu.memref_squeeze %dma_start3A_160 : memref<1x128x64xf32, #tpu.memory_space<vmem>> -> memref<128x64xf32, #tpu.memory_space<vmem>>
      %dma_start3A_162 = tpu.memref_slice %arg4[%add3A_141, %mul3A_157] : memref<73728x128xf32, #tpu.memory_space<hbm>> -> memref<128x64xf32, #tpu.memory_space<hbm>>
      %dma_start3A_163 = tpu.memref_slice %arg9[%rem3A_109] : memref<6x!tpu.dma_semaphore, #tpu.memory_space<semaphore_mem>> -> memref<1x!tpu.dma_semaphore, #tpu.memory_space<semaphore_mem>>
      %dma_start3A_164 = tpu.memref_squeeze %dma_start3A_163 : memref<1x!tpu.dma_semaphore, #tpu.memory_space<semaphore_mem>> -> memref<!tpu.dma_semaphore, #tpu.memory_space<semaphore_mem>>
      %dma_start3A_165 = tpu.memref_slice %arg4[%add3A_141, %mul3A_157] : memref<73728x128xf32, #tpu.memory_space<hbm>> -> memref<128x64xf32, #tpu.memory_space<hbm>>
      %dma_start3A_166 = arith.constant 0 : i32
      %dma_start3A_167 = arith.constant 0 : i32
      %dma_start3A_168 = tpu.memref_slice %arg6[%rem3A_109, %dma_start3A_166, %dma_start3A_167] : memref<6x128x64xf32, #tpu.memory_space<vmem>> -> memref<1x128x64xf32, #tpu.memory_space<vmem>>
      %dma_start3A_169 = tpu.memref_squeeze %dma_start3A_168 : memref<1x128x64xf32, #tpu.memory_space<vmem>> -> memref<128x64xf32, #tpu.memory_space<vmem>>
      tpu.enqueue_dma source(%dma_start3A_169 : memref<128x64xf32, #tpu.memory_space<vmem>>) target(%dma_start3A_165 : memref<128x64xf32, #tpu.memory_space<hbm>>) target_semaphore(%dma_start3A_164 : memref<!tpu.dma_semaphore, #tpu.memory_space<semaphore_mem>>)
      %add3A_170 = arith.constant 4 : i32
      %add3A_171 = arith.addi %scan3A_107, %add3A_170 : i32
      %rem3A_172 = arith.constant 6 : i32
      %rem3A_173 = arith.remsi %add3A_171, %rem3A_172 : i32
      %ge3A = arith.constant 2 : i32
      %ge3A_174 = arith.cmpi sge, %scan3A_107, %ge3A : i32
      %convert_element_type3A = arith.extui %ge3A_174 : i1 to i32
      %cond3A = arith.constant 0 : i32
      %cond3A_175 = arith.cmpi ne, %convert_element_type3A, %cond3A : i32
      scf.if %cond3A_175 {
        %sub3A_184 = arith.constant 2 : i32
        %sub3A_185 = arith.subi %scan3A_107, %sub3A_184 : i32
        %jit3A_186 = arith.constant 2 : i32
        %div3A_187 = arith.divsi %sub3A_185, %jit3A_186 : i32
        %sign3A_188 = arith.constant 0 : i32
        %sign3A_189 = arith.cmpi sgt, %sub3A_185, %sign3A_188 : i32
        %sign3A_190 = arith.extui %sign3A_189 : i1 to i32
        %sign3A_191 = arith.constant 0 : i32
        %sign3A_192 = arith.cmpi slt, %sub3A_185, %sign3A_191 : i32
        %sign3A_193 = arith.extui %sign3A_192 : i1 to i32
        %sign3A_194 = arith.subi %sign3A_190, %sign3A_193 : i32
        %sign3A_195 = arith.constant 0 : i32
        %sign3A_196 = arith.cmpi sgt, %jit3A_186, %sign3A_195 : i32
        %sign3A_197 = arith.extui %sign3A_196 : i1 to i32
        %sign3A_198 = arith.constant 0 : i32
        %sign3A_199 = arith.cmpi slt, %jit3A_186, %sign3A_198 : i32
        %sign3A_200 = arith.extui %sign3A_199 : i1 to i32
        %sign3A_201 = arith.subi %sign3A_197, %sign3A_200 : i32
        %ne3A_202 = arith.cmpi ne, %sign3A_194, %sign3A_201 : i32
        %rem3A_203 = arith.remsi %sub3A_185, %jit3A_186 : i32
        %ne3A_204 = arith.constant 0 : i32
        %ne3A_205 = arith.cmpi ne, %rem3A_203, %ne3A_204 : i32
        %and3A_206 = arith.andi %ne3A_202, %ne3A_205 : i1
        %sub3A_207 = arith.constant 1 : i32
        %sub3A_208 = arith.subi %div3A_187, %sub3A_207 : i32
        %select_n3A_209 = arith.select %and3A_206, %sub3A_208, %div3A_187 : i32
        %mul3A_210 = arith.constant 128 : i32
        %mul3A_211 = arith.muli %select_n3A_209, %mul3A_210 : i32
        %add3A_212 = arith.addi %mul3A_2, %mul3A_211 : i32
        %jit3A_213 = arith.constant 2 : i32
        %eq3A_214 = arith.constant 0 : i32
        %eq3A_215 = arith.cmpi eq, %jit3A_213, %eq3A_214 : i32
        %jit3A_216 = arith.constant 1 : i32
        %select_n3A_217 = arith.select %eq3A_215, %jit3A_216, %jit3A_213 : i32
        %rem3A_218 = arith.remsi %sub3A_185, %select_n3A_217 : i32
        %ne3A_219 = arith.constant 0 : i32
        %ne3A_220 = arith.cmpi ne, %rem3A_218, %ne3A_219 : i32
        %lt3A_221 = arith.constant 0 : i32
        %lt3A_222 = arith.cmpi slt, %rem3A_218, %lt3A_221 : i32
        %lt3A_223 = arith.constant 0 : i32
        %lt3A_224 = arith.cmpi slt, %select_n3A_217, %lt3A_223 : i32
        %ne3A_225 = arith.xori %lt3A_222, %lt3A_224 : i1
        %and3A_226 = arith.andi %ne3A_225, %ne3A_220 : i1
        %add3A_227 = arith.addi %rem3A_218, %select_n3A_217 : i32
        %select_n3A_228 = arith.select %and3A_226, %add3A_227, %rem3A_218 : i32
        %mul3A_229 = arith.constant 64 : i32
        %mul3A_230 = arith.muli %select_n3A_228, %mul3A_229 : i32
        %dma_wait3A_231 = arith.constant 0 : i32
        %dma_wait3A_232 = arith.constant 0 : i32
        %dma_wait3A_233 = tpu.memref_slice %arg6[%rem3A_173, %dma_wait3A_231, %dma_wait3A_232] : memref<6x128x64xf32, #tpu.memory_space<vmem>> -> memref<1x128x64xf32, #tpu.memory_space<vmem>>
        %dma_wait3A_234 = tpu.memref_squeeze %dma_wait3A_233 : memref<1x128x64xf32, #tpu.memory_space<vmem>> -> memref<128x64xf32, #tpu.memory_space<vmem>>
        %dma_wait3A_235 = tpu.memref_slice %arg4[%add3A_212, %mul3A_230] : memref<73728x128xf32, #tpu.memory_space<hbm>> -> memref<128x64xf32, #tpu.memory_space<hbm>>
        %dma_wait3A_236 = tpu.memref_slice %arg9[%rem3A_173] : memref<6x!tpu.dma_semaphore, #tpu.memory_space<semaphore_mem>> -> memref<1x!tpu.dma_semaphore, #tpu.memory_space<semaphore_mem>>
        %dma_wait3A_237 = tpu.memref_squeeze %dma_wait3A_236 : memref<1x!tpu.dma_semaphore, #tpu.memory_space<semaphore_mem>> -> memref<!tpu.dma_semaphore, #tpu.memory_space<semaphore_mem>>
        %dma_wait3A_238 = tpu.memref_slice %arg4[%add3A_212, %mul3A_230] : memref<73728x128xf32, #tpu.memory_space<hbm>> -> memref<128x64xf32, #tpu.memory_space<hbm>>
        %dma_wait3A_239 = arith.constant 0 : i32
        %dma_wait3A_240 = arith.constant 0 : i32
        %dma_wait3A_241 = tpu.memref_slice %arg6[%rem3A_173, %dma_wait3A_239, %dma_wait3A_240] : memref<6x128x64xf32, #tpu.memory_space<vmem>> -> memref<1x128x64xf32, #tpu.memory_space<vmem>>
        %dma_wait3A_242 = tpu.memref_squeeze %dma_wait3A_241 : memref<1x128x64xf32, #tpu.memory_space<vmem>> -> memref<128x64xf32, #tpu.memory_space<vmem>>
        tpu.wait_dma2 semaphore(%dma_wait3A_237 : memref<!tpu.dma_semaphore, #tpu.memory_space<semaphore_mem>>) src(%dma_wait3A_242 : memref<128x64xf32, #tpu.memory_space<vmem>>) dst(%dma_wait3A_238 : memref<128x64xf32, #tpu.memory_space<hbm>>)
      } else {
      }
      %add3A_176 = arith.constant 4 : i32
      %add3A_177 = arith.addi %scan3A_107, %add3A_176 : i32
      %lt3A_178 = arith.constant 36 : i32
      %lt3A_179 = arith.cmpi slt, %add3A_177, %lt3A_178 : i32
      %convert_element_type3A_180 = arith.extui %lt3A_179 : i1 to i32
      %cond3A_181 = arith.constant 0 : i32
      %cond3A_182 = arith.cmpi ne, %convert_element_type3A_180, %cond3A_181 : i32
      scf.if %cond3A_182 {
        %add3A_184 = arith.constant 4 : i32
        %add3A_185 = arith.addi %scan3A_107, %add3A_184 : i32
        %dma_start3A_186 = arith.constant 0 : i32
        %dma_start3A_187 = arith.constant 0 : i32
        %dma_start3A_188 = tpu.memref_slice %arg6[%rem3A_173, %dma_start3A_186, %dma_start3A_187] : memref<6x128x64xf32, #tpu.memory_space<vmem>> -> memref<1x128x64xf32, #tpu.memory_space<vmem>>
        %dma_start3A_189 = tpu.memref_squeeze %dma_start3A_188 : memref<1x128x64xf32, #tpu.memory_space<vmem>> -> memref<128x64xf32, #tpu.memory_space<vmem>>
        %dma_start3A_190 = arith.constant 0 : i32
        %dma_start3A_191 = tpu.memref_slice %arg5[%add3A_185, %dma_start3A_190] : memref<36x128xi32, #tpu.memory_space<vmem>> -> memref<1x128xi32, #tpu.memory_space<vmem>>
        %dma_start3A_192 = tpu.memref_squeeze %dma_start3A_191 : memref<1x128xi32, #tpu.memory_space<vmem>> -> memref<128xi32, #tpu.memory_space<vmem>>
        %dma_start3A_193 = arith.constant 0 : i32
        %dma_start3A_194 = arith.constant 0 : i32
        %dma_start3A_195 = tpu.memref_slice %arg7[%dma_start3A_193, %dma_start3A_194] : memref<16000x64xf32, #tpu.memory_space<vmem_shared>> -> memref<16000x64xf32, #tpu.memory_space<vmem_shared>>
        %dma_start3A_196 = tpu.memref_slice %arg8[%rem3A_173] : memref<6x!tpu.dma_semaphore, #tpu.memory_space<semaphore_mem>> -> memref<1x!tpu.dma_semaphore, #tpu.memory_space<semaphore_mem>>
        %dma_start3A_197 = tpu.memref_squeeze %dma_start3A_196 : memref<1x!tpu.dma_semaphore, #tpu.memory_space<semaphore_mem>> -> memref<!tpu.dma_semaphore, #tpu.memory_space<semaphore_mem>>
        tpu.enqueue_indirect_dma source(%dma_start3A_195 : memref<16000x64xf32, #tpu.memory_space<vmem_shared>>) target(%dma_start3A_189 : memref<128x64xf32, #tpu.memory_space<vmem>>) offsets(%dma_start3A_192 : memref<128xi32, #tpu.memory_space<vmem>>) semaphore(%dma_start3A_197 : memref<!tpu.dma_semaphore, #tpu.memory_space<semaphore_mem>>)
      } else {
      }
      %scan3A_183 = arith.constant 0 : i32
      scf.yield %scan3A_183 : i32
    }
    %scan3A_71 = arith.constant 36 : i32
    %add3A_72 = arith.constant 2176 : i32
    %add3A_73 = arith.addi %mul3A_2, %add3A_72 : i32
    %dma_wait3A = arith.constant 4 : i32
    %dma_wait3A_74 = arith.constant 4 : i32
    %dma_wait3A_75 = arith.constant 0 : i32
    %dma_wait3A_76 = arith.constant 0 : i32
    %dma_wait3A_77 = tpu.memref_slice %arg6[%dma_wait3A, %dma_wait3A_75, %dma_wait3A_76] : memref<6x128x64xf32, #tpu.memory_space<vmem>> -> memref<1x128x64xf32, #tpu.memory_space<vmem>>
    %dma_wait3A_78 = tpu.memref_squeeze %dma_wait3A_77 : memref<1x128x64xf32, #tpu.memory_space<vmem>> -> memref<128x64xf32, #tpu.memory_space<vmem>>
    %dma_wait3A_79 = arith.constant 0 : i32
    %dma_wait3A_80 = tpu.memref_slice %arg4[%add3A_73, %dma_wait3A_79] : memref<73728x128xf32, #tpu.memory_space<hbm>> -> memref<128x64xf32, #tpu.memory_space<hbm>>
    %dma_wait3A_81 = tpu.memref_slice %arg9[%dma_wait3A_74] : memref<6x!tpu.dma_semaphore, #tpu.memory_space<semaphore_mem>> -> memref<1x!tpu.dma_semaphore, #tpu.memory_space<semaphore_mem>>
    %dma_wait3A_82 = tpu.memref_squeeze %dma_wait3A_81 : memref<1x!tpu.dma_semaphore, #tpu.memory_space<semaphore_mem>> -> memref<!tpu.dma_semaphore, #tpu.memory_space<semaphore_mem>>
    %dma_wait3A_83 = arith.constant 0 : i32
    %dma_wait3A_84 = tpu.memref_slice %arg4[%add3A_73, %dma_wait3A_83] : memref<73728x128xf32, #tpu.memory_space<hbm>> -> memref<128x64xf32, #tpu.memory_space<hbm>>
    %dma_wait3A_85 = arith.constant 0 : i32
    %dma_wait3A_86 = arith.constant 0 : i32
    %dma_wait3A_87 = tpu.memref_slice %arg6[%dma_wait3A, %dma_wait3A_85, %dma_wait3A_86] : memref<6x128x64xf32, #tpu.memory_space<vmem>> -> memref<1x128x64xf32, #tpu.memory_space<vmem>>
    %dma_wait3A_88 = tpu.memref_squeeze %dma_wait3A_87 : memref<1x128x64xf32, #tpu.memory_space<vmem>> -> memref<128x64xf32, #tpu.memory_space<vmem>>
    tpu.wait_dma2 semaphore(%dma_wait3A_82 : memref<!tpu.dma_semaphore, #tpu.memory_space<semaphore_mem>>) src(%dma_wait3A_88 : memref<128x64xf32, #tpu.memory_space<vmem>>) dst(%dma_wait3A_84 : memref<128x64xf32, #tpu.memory_space<hbm>>)
    %add3A_89 = arith.constant 2176 : i32
    %add3A_90 = arith.addi %mul3A_2, %add3A_89 : i32
    %dma_wait3A_91 = arith.constant 5 : i32
    %dma_wait3A_92 = arith.constant 5 : i32
    %dma_wait3A_93 = arith.constant 0 : i32
    %dma_wait3A_94 = arith.constant 0 : i32
    %dma_wait3A_95 = tpu.memref_slice %arg6[%dma_wait3A_91, %dma_wait3A_93, %dma_wait3A_94] : memref<6x128x64xf32, #tpu.memory_space<vmem>> -> memref<1x128x64xf32, #tpu.memory_space<vmem>>
    %dma_wait3A_96 = tpu.memref_squeeze %dma_wait3A_95 : memref<1x128x64xf32, #tpu.memory_space<vmem>> -> memref<128x64xf32, #tpu.memory_space<vmem>>
    %dma_wait3A_97 = arith.constant 64 : i32
    %dma_wait3A_98 = tpu.memref_slice %arg4[%add3A_90, %dma_wait3A_97] : memref<73728x128xf32, #tpu.memory_space<hbm>> -> memref<128x64xf32, #tpu.memory_space<hbm>>
    %dma_wait3A_99 = tpu.memref_slice %arg9[%dma_wait3A_92] : memref<6x!tpu.dma_semaphore, #tpu.memory_space<semaphore_mem>> -> memref<1x!tpu.dma_semaphore, #tpu.memory_space<semaphore_mem>>
    %dma_wait3A_100 = tpu.memref_squeeze %dma_wait3A_99 : memref<1x!tpu.dma_semaphore, #tpu.memory_space<semaphore_mem>> -> memref<!tpu.dma_semaphore, #tpu.memory_space<semaphore_mem>>
    %dma_wait3A_101 = arith.constant 64 : i32
    %dma_wait3A_102 = tpu.memref_slice %arg4[%add3A_90, %dma_wait3A_101] : memref<73728x128xf32, #tpu.memory_space<hbm>> -> memref<128x64xf32, #tpu.memory_space<hbm>>
    %dma_wait3A_103 = arith.constant 0 : i32
    %dma_wait3A_104 = arith.constant 0 : i32
    %dma_wait3A_105 = tpu.memref_slice %arg6[%dma_wait3A_91, %dma_wait3A_103, %dma_wait3A_104] : memref<6x128x64xf32, #tpu.memory_space<vmem>> -> memref<1x128x64xf32, #tpu.memory_space<vmem>>
    %dma_wait3A_106 = tpu.memref_squeeze %dma_wait3A_105 : memref<1x128x64xf32, #tpu.memory_space<vmem>> -> memref<128x64xf32, #tpu.memory_space<vmem>>
    tpu.wait_dma2 semaphore(%dma_wait3A_100 : memref<!tpu.dma_semaphore, #tpu.memory_space<semaphore_mem>>) src(%dma_wait3A_106 : memref<128x64xf32, #tpu.memory_space<vmem>>) dst(%dma_wait3A_102 : memref<128x64xf32, #tpu.memory_space<hbm>>)
    return
  }
}

module attributes {stable_mosaic.version = 14 : i64} {
  func.func @_head_kernel(%arg0: i32, %arg1: memref<18x1x1024x128xf32, #tpu.memory_space<vmem>>, %arg2: memref<1x1024x128xf32, #tpu.memory_space<vmem>>, %arg3: memref<18x128x128xf32, #tpu.memory_space<vmem>>, %arg4: memref<1x1024x2xf32, #tpu.memory_space<vmem>>, %arg5: memref<1x1x1024xf32, #tpu.memory_space<vmem>>, %arg6: memref<1x1x1024xf32, #tpu.memory_space<vmem>>, %arg7: memref<1x1024x2xf32, #tpu.memory_space<vmem>>, %arg8: memref<1x1024x72xf32, #tpu.memory_space<vmem>>, %arg9: memref<1x1024x8xf32, #tpu.memory_space<vmem>>, %arg10: memref<1024x128xf32, #tpu.memory_space<vmem>>) attributes {dimension_semantics = [#tpu.dimension_semantics<arbitrary>], iteration_bounds = array<i64: 4>, scalar_prefetch = 0 : i64, scratch_operands = 1 : i64, tpu.core_type = #tpu.core_type<tc>, window_params = [{transform_indices = @transform_0, window_bounds = array<i64: 18, 1, 1024, 128>}, {transform_indices = @transform_1, window_bounds = array<i64: 1, 1024, 128>}, {pipeline_mode = #tpu.pipeline_mode<synchronous>, transform_indices = @transform_2, window_bounds = array<i64: 18, 128, 128>}, {transform_indices = @transform_3, window_bounds = array<i64: 1, 1024, 2>}, {transform_indices = @transform_4, window_bounds = array<i64: 1, 1, 1024>}, {transform_indices = @transform_5, window_bounds = array<i64: 1, 1, 1024>}, {transform_indices = @transform_6, window_bounds = array<i64: 1, 1024, 2>}, {transform_indices = @transform_7, window_bounds = array<i64: 1, 1024, 72>}, {transform_indices = @transform_8, window_bounds = array<i64: 1, 1024, 8>}]} {
    %get3A = arith.constant 0 : index
    %get3A_0 = arith.constant 0 : index
    %get3A_1 = arith.constant 0 : index
    %get3A_2 = vector.load %arg2[%get3A, %get3A_0, %get3A_1] : memref<1x1024x128xf32, #tpu.memory_space<vmem>>, vector<1x1024x128xf32>
    %get3A_3 = vector.shape_cast %get3A_2 : vector<1x1024x128xf32> to vector<1024x128xf32>
    %get3A_4 = arith.constant 0 : index
    %get3A_5 = arith.constant 0 : index
    %get3A_6 = arith.constant 0 : index
    %get3A_7 = arith.constant 0 : index
    %get3A_8 = vector.load %arg1[%get3A_4, %get3A_5, %get3A_6, %get3A_7] : memref<18x1x1024x128xf32, #tpu.memory_space<vmem>>, vector<1x1x1024x128xf32>
    %get3A_9 = vector.shape_cast %get3A_8 : vector<1x1x1024x128xf32> to vector<1024x128xf32>
    %add3A = arith.addf %get3A_9, %get3A_3 : vector<1024x128xf32>
    %get3A_10 = arith.constant 0 : index
    %get3A_11 = arith.constant 0 : index
    %get3A_12 = arith.constant 0 : index
    %get3A_13 = vector.load %arg3[%get3A_10, %get3A_11, %get3A_12] : memref<18x128x128xf32, #tpu.memory_space<vmem>>, vector<1x128x128xf32>
    %get3A_14 = vector.shape_cast %get3A_13 : vector<1x128x128xf32> to vector<128x128xf32>
    %dot_general3A = arith.constant dense<0.000000e+00> : vector<1024x128xf32>
    %dot_general3A_15 = tpu.matmul %add3A, %get3A_14, %dot_general3A {dimension_numbers = #tpu.dot_dimension_numbers<[1], [0], [0], [1], [0, 0, 1, 1], [], []>, transpose_lhs_hint = false} : vector<1024x128xf32>, vector<128x128xf32>, vector<1024x128xf32> -> vector<1024x128xf32>
    %swap3A = arith.constant 0 : index
    %swap3A_16 = arith.constant 0 : index
    %swap3A_17 = vector.load %arg10[%swap3A, %swap3A_16] : memref<1024x128xf32, #tpu.memory_space<vmem>>, vector<1024x128xf32>
    tpu.vector_store %arg10[%swap3A, %swap3A_16], %dot_general3A_15 {strides = array<i32>} : memref<1024x128xf32, #tpu.memory_space<vmem>>, vector<1024x128xf32>,
    %get3A_18 = arith.constant 1 : index
    %get3A_19 = arith.constant 0 : index
    %get3A_20 = arith.constant 0 : index
    %get3A_21 = arith.constant 0 : index
    %get3A_22 = vector.load %arg1[%get3A_18, %get3A_19, %get3A_20, %get3A_21] : memref<18x1x1024x128xf32, #tpu.memory_space<vmem>>, vector<1x1x1024x128xf32>
    %get3A_23 = vector.shape_cast %get3A_22 : vector<1x1x1024x128xf32> to vector<1024x128xf32>
    %add3A_24 = arith.addf %get3A_23, %get3A_3 : vector<1024x128xf32>
    %get3A_25 = arith.constant 1 : index
    %get3A_26 = arith.constant 0 : index
    %get3A_27 = arith.constant 0 : index
    %get3A_28 = vector.load %arg3[%get3A_25, %get3A_26, %get3A_27] : memref<18x128x128xf32, #tpu.memory_space<vmem>>, vector<1x128x128xf32>
    %get3A_29 = vector.shape_cast %get3A_28 : vector<1x128x128xf32> to vector<128x128xf32>
    %dot_general3A_30 = arith.constant dense<0.000000e+00> : vector<1024x128xf32>
    %dot_general3A_31 = tpu.matmul %add3A_24, %get3A_29, %dot_general3A_30 {dimension_numbers = #tpu.dot_dimension_numbers<[1], [0], [0], [1], [0, 0, 1, 1], [], []>, transpose_lhs_hint = false} : vector<1024x128xf32>, vector<128x128xf32>, vector<1024x128xf32> -> vector<1024x128xf32>
    %get3A_32 = arith.constant 0 : index
    %get3A_33 = arith.constant 0 : index
    %get3A_34 = vector.load %arg10[%get3A_32, %get3A_33] : memref<1024x128xf32, #tpu.memory_space<vmem>>, vector<1024x128xf32>
    %add3A_35 = arith.addf %get3A_34, %dot_general3A_31 : vector<1024x128xf32>
    %swap3A_36 = arith.constant 0 : index
    %swap3A_37 = arith.constant 0 : index
    %swap3A_38 = vector.load %arg10[%swap3A_36, %swap3A_37] : memref<1024x128xf32, #tpu.memory_space<vmem>>, vector<1024x128xf32>
    tpu.vector_store %arg10[%swap3A_36, %swap3A_37], %add3A_35 {strides = array<i32>} : memref<1024x128xf32, #tpu.memory_space<vmem>>, vector<1024x128xf32>,
    %get3A_39 = arith.constant 2 : index
    %get3A_40 = arith.constant 0 : index
    %get3A_41 = arith.constant 0 : index
    %get3A_42 = arith.constant 0 : index
    %get3A_43 = vector.load %arg1[%get3A_39, %get3A_40, %get3A_41, %get3A_42] : memref<18x1x1024x128xf32, #tpu.memory_space<vmem>>, vector<1x1x1024x128xf32>
    %get3A_44 = vector.shape_cast %get3A_43 : vector<1x1x1024x128xf32> to vector<1024x128xf32>
    %add3A_45 = arith.addf %get3A_44, %get3A_3 : vector<1024x128xf32>
    %get3A_46 = arith.constant 2 : index
    %get3A_47 = arith.constant 0 : index
    %get3A_48 = arith.constant 0 : index
    %get3A_49 = vector.load %arg3[%get3A_46, %get3A_47, %get3A_48] : memref<18x128x128xf32, #tpu.memory_space<vmem>>, vector<1x128x128xf32>
    %get3A_50 = vector.shape_cast %get3A_49 : vector<1x128x128xf32> to vector<128x128xf32>
    %dot_general3A_51 = arith.constant dense<0.000000e+00> : vector<1024x128xf32>
    %dot_general3A_52 = tpu.matmul %add3A_45, %get3A_50, %dot_general3A_51 {dimension_numbers = #tpu.dot_dimension_numbers<[1], [0], [0], [1], [0, 0, 1, 1], [], []>, transpose_lhs_hint = false} : vector<1024x128xf32>, vector<128x128xf32>, vector<1024x128xf32> -> vector<1024x128xf32>
    %get3A_53 = arith.constant 0 : index
    %get3A_54 = arith.constant 0 : index
    %get3A_55 = vector.load %arg10[%get3A_53, %get3A_54] : memref<1024x128xf32, #tpu.memory_space<vmem>>, vector<1024x128xf32>
    %add3A_56 = arith.addf %get3A_55, %dot_general3A_52 : vector<1024x128xf32>
    %swap3A_57 = arith.constant 0 : index
    %swap3A_58 = arith.constant 0 : index
    %swap3A_59 = vector.load %arg10[%swap3A_57, %swap3A_58] : memref<1024x128xf32, #tpu.memory_space<vmem>>, vector<1024x128xf32>
    tpu.vector_store %arg10[%swap3A_57, %swap3A_58], %add3A_56 {strides = array<i32>} : memref<1024x128xf32, #tpu.memory_space<vmem>>, vector<1024x128xf32>,
    %get3A_60 = arith.constant 3 : index
    %get3A_61 = arith.constant 0 : index
    %get3A_62 = arith.constant 0 : index
    %get3A_63 = arith.constant 0 : index
    %get3A_64 = vector.load %arg1[%get3A_60, %get3A_61, %get3A_62, %get3A_63] : memref<18x1x1024x128xf32, #tpu.memory_space<vmem>>, vector<1x1x1024x128xf32>
    %get3A_65 = vector.shape_cast %get3A_64 : vector<1x1x1024x128xf32> to vector<1024x128xf32>
    %add3A_66 = arith.addf %get3A_65, %get3A_3 : vector<1024x128xf32>
    %get3A_67 = arith.constant 3 : index
    %get3A_68 = arith.constant 0 : index
    %get3A_69 = arith.constant 0 : index
    %get3A_70 = vector.load %arg3[%get3A_67, %get3A_68, %get3A_69] : memref<18x128x128xf32, #tpu.memory_space<vmem>>, vector<1x128x128xf32>
    %get3A_71 = vector.shape_cast %get3A_70 : vector<1x128x128xf32> to vector<128x128xf32>
    %dot_general3A_72 = arith.constant dense<0.000000e+00> : vector<1024x128xf32>
    %dot_general3A_73 = tpu.matmul %add3A_66, %get3A_71, %dot_general3A_72 {dimension_numbers = #tpu.dot_dimension_numbers<[1], [0], [0], [1], [0, 0, 1, 1], [], []>, transpose_lhs_hint = false} : vector<1024x128xf32>, vector<128x128xf32>, vector<1024x128xf32> -> vector<1024x128xf32>
    %get3A_74 = arith.constant 0 : index
    %get3A_75 = arith.constant 0 : index
    %get3A_76 = vector.load %arg10[%get3A_74, %get3A_75] : memref<1024x128xf32, #tpu.memory_space<vmem>>, vector<1024x128xf32>
    %add3A_77 = arith.addf %get3A_76, %dot_general3A_73 : vector<1024x128xf32>
    %swap3A_78 = arith.constant 0 : index
    %swap3A_79 = arith.constant 0 : index
    %swap3A_80 = vector.load %arg10[%swap3A_78, %swap3A_79] : memref<1024x128xf32, #tpu.memory_space<vmem>>, vector<1024x128xf32>
    tpu.vector_store %arg10[%swap3A_78, %swap3A_79], %add3A_77 {strides = array<i32>} : memref<1024x128xf32, #tpu.memory_space<vmem>>, vector<1024x128xf32>,
    %get3A_81 = arith.constant 4 : index
    %get3A_82 = arith.constant 0 : index
    %get3A_83 = arith.constant 0 : index
    %get3A_84 = arith.constant 0 : index
    %get3A_85 = vector.load %arg1[%get3A_81, %get3A_82, %get3A_83, %get3A_84] : memref<18x1x1024x128xf32, #tpu.memory_space<vmem>>, vector<1x1x1024x128xf32>
    %get3A_86 = vector.shape_cast %get3A_85 : vector<1x1x1024x128xf32> to vector<1024x128xf32>
    %add3A_87 = arith.addf %get3A_86, %get3A_3 : vector<1024x128xf32>
    %get3A_88 = arith.constant 4 : index
    %get3A_89 = arith.constant 0 : index
    %get3A_90 = arith.constant 0 : index
    %get3A_91 = vector.load %arg3[%get3A_88, %get3A_89, %get3A_90] : memref<18x128x128xf32, #tpu.memory_space<vmem>>, vector<1x128x128xf32>
    %get3A_92 = vector.shape_cast %get3A_91 : vector<1x128x128xf32> to vector<128x128xf32>
    %dot_general3A_93 = arith.constant dense<0.000000e+00> : vector<1024x128xf32>
    %dot_general3A_94 = tpu.matmul %add3A_87, %get3A_92, %dot_general3A_93 {dimension_numbers = #tpu.dot_dimension_numbers<[1], [0], [0], [1], [0, 0, 1, 1], [], []>, transpose_lhs_hint = false} : vector<1024x128xf32>, vector<128x128xf32>, vector<1024x128xf32> -> vector<1024x128xf32>
    %get3A_95 = arith.constant 0 : index
    %get3A_96 = arith.constant 0 : index
    %get3A_97 = vector.load %arg10[%get3A_95, %get3A_96] : memref<1024x128xf32, #tpu.memory_space<vmem>>, vector<1024x128xf32>
    %add3A_98 = arith.addf %get3A_97, %dot_general3A_94 : vector<1024x128xf32>
    %swap3A_99 = arith.constant 0 : index
    %swap3A_100 = arith.constant 0 : index
    %swap3A_101 = vector.load %arg10[%swap3A_99, %swap3A_100] : memref<1024x128xf32, #tpu.memory_space<vmem>>, vector<1024x128xf32>
    tpu.vector_store %arg10[%swap3A_99, %swap3A_100], %add3A_98 {strides = array<i32>} : memref<1024x128xf32, #tpu.memory_space<vmem>>, vector<1024x128xf32>,
    %get3A_102 = arith.constant 5 : index
    %get3A_103 = arith.constant 0 : index
    %get3A_104 = arith.constant 0 : index
    %get3A_105 = arith.constant 0 : index
    %get3A_106 = vector.load %arg1[%get3A_102, %get3A_103, %get3A_104, %get3A_105] : memref<18x1x1024x128xf32, #tpu.memory_space<vmem>>, vector<1x1x1024x128xf32>
    %get3A_107 = vector.shape_cast %get3A_106 : vector<1x1x1024x128xf32> to vector<1024x128xf32>
    %add3A_108 = arith.addf %get3A_107, %get3A_3 : vector<1024x128xf32>
    %get3A_109 = arith.constant 5 : index
    %get3A_110 = arith.constant 0 : index
    %get3A_111 = arith.constant 0 : index
    %get3A_112 = vector.load %arg3[%get3A_109, %get3A_110, %get3A_111] : memref<18x128x128xf32, #tpu.memory_space<vmem>>, vector<1x128x128xf32>
    %get3A_113 = vector.shape_cast %get3A_112 : vector<1x128x128xf32> to vector<128x128xf32>
    %dot_general3A_114 = arith.constant dense<0.000000e+00> : vector<1024x128xf32>
    %dot_general3A_115 = tpu.matmul %add3A_108, %get3A_113, %dot_general3A_114 {dimension_numbers = #tpu.dot_dimension_numbers<[1], [0], [0], [1], [0, 0, 1, 1], [], []>, transpose_lhs_hint = false} : vector<1024x128xf32>, vector<128x128xf32>, vector<1024x128xf32> -> vector<1024x128xf32>
    %get3A_116 = arith.constant 0 : index
    %get3A_117 = arith.constant 0 : index
    %get3A_118 = vector.load %arg10[%get3A_116, %get3A_117] : memref<1024x128xf32, #tpu.memory_space<vmem>>, vector<1024x128xf32>
    %add3A_119 = arith.addf %get3A_118, %dot_general3A_115 : vector<1024x128xf32>
    %swap3A_120 = arith.constant 0 : index
    %swap3A_121 = arith.constant 0 : index
    %swap3A_122 = vector.load %arg10[%swap3A_120, %swap3A_121] : memref<1024x128xf32, #tpu.memory_space<vmem>>, vector<1024x128xf32>
    tpu.vector_store %arg10[%swap3A_120, %swap3A_121], %add3A_119 {strides = array<i32>} : memref<1024x128xf32, #tpu.memory_space<vmem>>, vector<1024x128xf32>,
    %get3A_123 = arith.constant 6 : index
    %get3A_124 = arith.constant 0 : index
    %get3A_125 = arith.constant 0 : index
    %get3A_126 = arith.constant 0 : index
    %get3A_127 = vector.load %arg1[%get3A_123, %get3A_124, %get3A_125, %get3A_126] : memref<18x1x1024x128xf32, #tpu.memory_space<vmem>>, vector<1x1x1024x128xf32>
    %get3A_128 = vector.shape_cast %get3A_127 : vector<1x1x1024x128xf32> to vector<1024x128xf32>
    %add3A_129 = arith.addf %get3A_128, %get3A_3 : vector<1024x128xf32>
    %get3A_130 = arith.constant 6 : index
    %get3A_131 = arith.constant 0 : index
    %get3A_132 = arith.constant 0 : index
    %get3A_133 = vector.load %arg3[%get3A_130, %get3A_131, %get3A_132] : memref<18x128x128xf32, #tpu.memory_space<vmem>>, vector<1x128x128xf32>
    %get3A_134 = vector.shape_cast %get3A_133 : vector<1x128x128xf32> to vector<128x128xf32>
    %dot_general3A_135 = arith.constant dense<0.000000e+00> : vector<1024x128xf32>
    %dot_general3A_136 = tpu.matmul %add3A_129, %get3A_134, %dot_general3A_135 {dimension_numbers = #tpu.dot_dimension_numbers<[1], [0], [0], [1], [0, 0, 1, 1], [], []>, transpose_lhs_hint = false} : vector<1024x128xf32>, vector<128x128xf32>, vector<1024x128xf32> -> vector<1024x128xf32>
    %get3A_137 = arith.constant 0 : index
    %get3A_138 = arith.constant 0 : index
    %get3A_139 = vector.load %arg10[%get3A_137, %get3A_138] : memref<1024x128xf32, #tpu.memory_space<vmem>>, vector<1024x128xf32>
    %add3A_140 = arith.addf %get3A_139, %dot_general3A_136 : vector<1024x128xf32>
    %swap3A_141 = arith.constant 0 : index
    %swap3A_142 = arith.constant 0 : index
    %swap3A_143 = vector.load %arg10[%swap3A_141, %swap3A_142] : memref<1024x128xf32, #tpu.memory_space<vmem>>, vector<1024x128xf32>
    tpu.vector_store %arg10[%swap3A_141, %swap3A_142], %add3A_140 {strides = array<i32>} : memref<1024x128xf32, #tpu.memory_space<vmem>>, vector<1024x128xf32>,
    %get3A_144 = arith.constant 7 : index
    %get3A_145 = arith.constant 0 : index
    %get3A_146 = arith.constant 0 : index
    %get3A_147 = arith.constant 0 : index
    %get3A_148 = vector.load %arg1[%get3A_144, %get3A_145, %get3A_146, %get3A_147] : memref<18x1x1024x128xf32, #tpu.memory_space<vmem>>, vector<1x1x1024x128xf32>
    %get3A_149 = vector.shape_cast %get3A_148 : vector<1x1x1024x128xf32> to vector<1024x128xf32>
    %add3A_150 = arith.addf %get3A_149, %get3A_3 : vector<1024x128xf32>
    %get3A_151 = arith.constant 7 : index
    %get3A_152 = arith.constant 0 : index
    %get3A_153 = arith.constant 0 : index
    %get3A_154 = vector.load %arg3[%get3A_151, %get3A_152, %get3A_153] : memref<18x128x128xf32, #tpu.memory_space<vmem>>, vector<1x128x128xf32>
    %get3A_155 = vector.shape_cast %get3A_154 : vector<1x128x128xf32> to vector<128x128xf32>
    %dot_general3A_156 = arith.constant dense<0.000000e+00> : vector<1024x128xf32>
    %dot_general3A_157 = tpu.matmul %add3A_150, %get3A_155, %dot_general3A_156 {dimension_numbers = #tpu.dot_dimension_numbers<[1], [0], [0], [1], [0, 0, 1, 1], [], []>, transpose_lhs_hint = false} : vector<1024x128xf32>, vector<128x128xf32>, vector<1024x128xf32> -> vector<1024x128xf32>
    %get3A_158 = arith.constant 0 : index
    %get3A_159 = arith.constant 0 : index
    %get3A_160 = vector.load %arg10[%get3A_158, %get3A_159] : memref<1024x128xf32, #tpu.memory_space<vmem>>, vector<1024x128xf32>
    %add3A_161 = arith.addf %get3A_160, %dot_general3A_157 : vector<1024x128xf32>
    %swap3A_162 = arith.constant 0 : index
    %swap3A_163 = arith.constant 0 : index
    %swap3A_164 = vector.load %arg10[%swap3A_162, %swap3A_163] : memref<1024x128xf32, #tpu.memory_space<vmem>>, vector<1024x128xf32>
    tpu.vector_store %arg10[%swap3A_162, %swap3A_163], %add3A_161 {strides = array<i32>} : memref<1024x128xf32, #tpu.memory_space<vmem>>, vector<1024x128xf32>,
    %get3A_165 = arith.constant 8 : index
    %get3A_166 = arith.constant 0 : index
    %get3A_167 = arith.constant 0 : index
    %get3A_168 = arith.constant 0 : index
    %get3A_169 = vector.load %arg1[%get3A_165, %get3A_166, %get3A_167, %get3A_168] : memref<18x1x1024x128xf32, #tpu.memory_space<vmem>>, vector<1x1x1024x128xf32>
    %get3A_170 = vector.shape_cast %get3A_169 : vector<1x1x1024x128xf32> to vector<1024x128xf32>
    %add3A_171 = arith.addf %get3A_170, %get3A_3 : vector<1024x128xf32>
    %get3A_172 = arith.constant 8 : index
    %get3A_173 = arith.constant 0 : index
    %get3A_174 = arith.constant 0 : index
    %get3A_175 = vector.load %arg3[%get3A_172, %get3A_173, %get3A_174] : memref<18x128x128xf32, #tpu.memory_space<vmem>>, vector<1x128x128xf32>
    %get3A_176 = vector.shape_cast %get3A_175 : vector<1x128x128xf32> to vector<128x128xf32>
    %dot_general3A_177 = arith.constant dense<0.000000e+00> : vector<1024x128xf32>
    %dot_general3A_178 = tpu.matmul %add3A_171, %get3A_176, %dot_general3A_177 {dimension_numbers = #tpu.dot_dimension_numbers<[1], [0], [0], [1], [0, 0, 1, 1], [], []>, transpose_lhs_hint = false} : vector<1024x128xf32>, vector<128x128xf32>, vector<1024x128xf32> -> vector<1024x128xf32>
    %get3A_179 = arith.constant 0 : index
    %get3A_180 = arith.constant 0 : index
    %get3A_181 = vector.load %arg10[%get3A_179, %get3A_180] : memref<1024x128xf32, #tpu.memory_space<vmem>>, vector<1024x128xf32>
    %add3A_182 = arith.addf %get3A_181, %dot_general3A_178 : vector<1024x128xf32>
    %swap3A_183 = arith.constant 0 : index
    %swap3A_184 = arith.constant 0 : index
    %swap3A_185 = vector.load %arg10[%swap3A_183, %swap3A_184] : memref<1024x128xf32, #tpu.memory_space<vmem>>, vector<1024x128xf32>
    tpu.vector_store %arg10[%swap3A_183, %swap3A_184], %add3A_182 {strides = array<i32>} : memref<1024x128xf32, #tpu.memory_space<vmem>>, vector<1024x128xf32>,
    %get3A_186 = arith.constant 9 : index
    %get3A_187 = arith.constant 0 : index
    %get3A_188 = arith.constant 0 : index
    %get3A_189 = arith.constant 0 : index
    %get3A_190 = vector.load %arg1[%get3A_186, %get3A_187, %get3A_188, %get3A_189] : memref<18x1x1024x128xf32, #tpu.memory_space<vmem>>, vector<1x1x1024x128xf32>
    %get3A_191 = vector.shape_cast %get3A_190 : vector<1x1x1024x128xf32> to vector<1024x128xf32>
    %add3A_192 = arith.addf %get3A_191, %get3A_3 : vector<1024x128xf32>
    %get3A_193 = arith.constant 9 : index
    %get3A_194 = arith.constant 0 : index
    %get3A_195 = arith.constant 0 : index
    %get3A_196 = vector.load %arg3[%get3A_193, %get3A_194, %get3A_195] : memref<18x128x128xf32, #tpu.memory_space<vmem>>, vector<1x128x128xf32>
    %get3A_197 = vector.shape_cast %get3A_196 : vector<1x128x128xf32> to vector<128x128xf32>
    %dot_general3A_198 = arith.constant dense<0.000000e+00> : vector<1024x128xf32>
    %dot_general3A_199 = tpu.matmul %add3A_192, %get3A_197, %dot_general3A_198 {dimension_numbers = #tpu.dot_dimension_numbers<[1], [0], [0], [1], [0, 0, 1, 1], [], []>, transpose_lhs_hint = false} : vector<1024x128xf32>, vector<128x128xf32>, vector<1024x128xf32> -> vector<1024x128xf32>
    %get3A_200 = arith.constant 0 : index
    %get3A_201 = arith.constant 0 : index
    %get3A_202 = vector.load %arg10[%get3A_200, %get3A_201] : memref<1024x128xf32, #tpu.memory_space<vmem>>, vector<1024x128xf32>
    %add3A_203 = arith.addf %get3A_202, %dot_general3A_199 : vector<1024x128xf32>
    %swap3A_204 = arith.constant 0 : index
    %swap3A_205 = arith.constant 0 : index
    %swap3A_206 = vector.load %arg10[%swap3A_204, %swap3A_205] : memref<1024x128xf32, #tpu.memory_space<vmem>>, vector<1024x128xf32>
    tpu.vector_store %arg10[%swap3A_204, %swap3A_205], %add3A_203 {strides = array<i32>} : memref<1024x128xf32, #tpu.memory_space<vmem>>, vector<1024x128xf32>,
    %get3A_207 = arith.constant 10 : index
    %get3A_208 = arith.constant 0 : index
    %get3A_209 = arith.constant 0 : index
    %get3A_210 = arith.constant 0 : index
    %get3A_211 = vector.load %arg1[%get3A_207, %get3A_208, %get3A_209, %get3A_210] : memref<18x1x1024x128xf32, #tpu.memory_space<vmem>>, vector<1x1x1024x128xf32>
    %get3A_212 = vector.shape_cast %get3A_211 : vector<1x1x1024x128xf32> to vector<1024x128xf32>
    %add3A_213 = arith.addf %get3A_212, %get3A_3 : vector<1024x128xf32>
    %get3A_214 = arith.constant 10 : index
    %get3A_215 = arith.constant 0 : index
    %get3A_216 = arith.constant 0 : index
    %get3A_217 = vector.load %arg3[%get3A_214, %get3A_215, %get3A_216] : memref<18x128x128xf32, #tpu.memory_space<vmem>>, vector<1x128x128xf32>
    %get3A_218 = vector.shape_cast %get3A_217 : vector<1x128x128xf32> to vector<128x128xf32>
    %dot_general3A_219 = arith.constant dense<0.000000e+00> : vector<1024x128xf32>
    %dot_general3A_220 = tpu.matmul %add3A_213, %get3A_218, %dot_general3A_219 {dimension_numbers = #tpu.dot_dimension_numbers<[1], [0], [0], [1], [0, 0, 1, 1], [], []>, transpose_lhs_hint = false} : vector<1024x128xf32>, vector<128x128xf32>, vector<1024x128xf32> -> vector<1024x128xf32>
    %get3A_221 = arith.constant 0 : index
    %get3A_222 = arith.constant 0 : index
    %get3A_223 = vector.load %arg10[%get3A_221, %get3A_222] : memref<1024x128xf32, #tpu.memory_space<vmem>>, vector<1024x128xf32>
    %add3A_224 = arith.addf %get3A_223, %dot_general3A_220 : vector<1024x128xf32>
    %swap3A_225 = arith.constant 0 : index
    %swap3A_226 = arith.constant 0 : index
    %swap3A_227 = vector.load %arg10[%swap3A_225, %swap3A_226] : memref<1024x128xf32, #tpu.memory_space<vmem>>, vector<1024x128xf32>
    tpu.vector_store %arg10[%swap3A_225, %swap3A_226], %add3A_224 {strides = array<i32>} : memref<1024x128xf32, #tpu.memory_space<vmem>>, vector<1024x128xf32>,
    %get3A_228 = arith.constant 11 : index
    %get3A_229 = arith.constant 0 : index
    %get3A_230 = arith.constant 0 : index
    %get3A_231 = arith.constant 0 : index
    %get3A_232 = vector.load %arg1[%get3A_228, %get3A_229, %get3A_230, %get3A_231] : memref<18x1x1024x128xf32, #tpu.memory_space<vmem>>, vector<1x1x1024x128xf32>
    %get3A_233 = vector.shape_cast %get3A_232 : vector<1x1x1024x128xf32> to vector<1024x128xf32>
    %add3A_234 = arith.addf %get3A_233, %get3A_3 : vector<1024x128xf32>
    %get3A_235 = arith.constant 11 : index
    %get3A_236 = arith.constant 0 : index
    %get3A_237 = arith.constant 0 : index
    %get3A_238 = vector.load %arg3[%get3A_235, %get3A_236, %get3A_237] : memref<18x128x128xf32, #tpu.memory_space<vmem>>, vector<1x128x128xf32>
    %get3A_239 = vector.shape_cast %get3A_238 : vector<1x128x128xf32> to vector<128x128xf32>
    %dot_general3A_240 = arith.constant dense<0.000000e+00> : vector<1024x128xf32>
    %dot_general3A_241 = tpu.matmul %add3A_234, %get3A_239, %dot_general3A_240 {dimension_numbers = #tpu.dot_dimension_numbers<[1], [0], [0], [1], [0, 0, 1, 1], [], []>, transpose_lhs_hint = false} : vector<1024x128xf32>, vector<128x128xf32>, vector<1024x128xf32> -> vector<1024x128xf32>
    %get3A_242 = arith.constant 0 : index
    %get3A_243 = arith.constant 0 : index
    %get3A_244 = vector.load %arg10[%get3A_242, %get3A_243] : memref<1024x128xf32, #tpu.memory_space<vmem>>, vector<1024x128xf32>
    %add3A_245 = arith.addf %get3A_244, %dot_general3A_241 : vector<1024x128xf32>
    %swap3A_246 = arith.constant 0 : index
    %swap3A_247 = arith.constant 0 : index
    %swap3A_248 = vector.load %arg10[%swap3A_246, %swap3A_247] : memref<1024x128xf32, #tpu.memory_space<vmem>>, vector<1024x128xf32>
    tpu.vector_store %arg10[%swap3A_246, %swap3A_247], %add3A_245 {strides = array<i32>} : memref<1024x128xf32, #tpu.memory_space<vmem>>, vector<1024x128xf32>,
    %get3A_249 = arith.constant 12 : index
    %get3A_250 = arith.constant 0 : index
    %get3A_251 = arith.constant 0 : index
    %get3A_252 = arith.constant 0 : index
    %get3A_253 = vector.load %arg1[%get3A_249, %get3A_250, %get3A_251, %get3A_252] : memref<18x1x1024x128xf32, #tpu.memory_space<vmem>>, vector<1x1x1024x128xf32>
    %get3A_254 = vector.shape_cast %get3A_253 : vector<1x1x1024x128xf32> to vector<1024x128xf32>
    %add3A_255 = arith.addf %get3A_254, %get3A_3 : vector<1024x128xf32>
    %get3A_256 = arith.constant 12 : index
    %get3A_257 = arith.constant 0 : index
    %get3A_258 = arith.constant 0 : index
    %get3A_259 = vector.load %arg3[%get3A_256, %get3A_257, %get3A_258] : memref<18x128x128xf32, #tpu.memory_space<vmem>>, vector<1x128x128xf32>
    %get3A_260 = vector.shape_cast %get3A_259 : vector<1x128x128xf32> to vector<128x128xf32>
    %dot_general3A_261 = arith.constant dense<0.000000e+00> : vector<1024x128xf32>
    %dot_general3A_262 = tpu.matmul %add3A_255, %get3A_260, %dot_general3A_261 {dimension_numbers = #tpu.dot_dimension_numbers<[1], [0], [0], [1], [0, 0, 1, 1], [], []>, transpose_lhs_hint = false} : vector<1024x128xf32>, vector<128x128xf32>, vector<1024x128xf32> -> vector<1024x128xf32>
    %get3A_263 = arith.constant 0 : index
    %get3A_264 = arith.constant 0 : index
    %get3A_265 = vector.load %arg10[%get3A_263, %get3A_264] : memref<1024x128xf32, #tpu.memory_space<vmem>>, vector<1024x128xf32>
    %add3A_266 = arith.addf %get3A_265, %dot_general3A_262 : vector<1024x128xf32>
    %swap3A_267 = arith.constant 0 : index
    %swap3A_268 = arith.constant 0 : index
    %swap3A_269 = vector.load %arg10[%swap3A_267, %swap3A_268] : memref<1024x128xf32, #tpu.memory_space<vmem>>, vector<1024x128xf32>
    tpu.vector_store %arg10[%swap3A_267, %swap3A_268], %add3A_266 {strides = array<i32>} : memref<1024x128xf32, #tpu.memory_space<vmem>>, vector<1024x128xf32>,
    %get3A_270 = arith.constant 13 : index
    %get3A_271 = arith.constant 0 : index
    %get3A_272 = arith.constant 0 : index
    %get3A_273 = arith.constant 0 : index
    %get3A_274 = vector.load %arg1[%get3A_270, %get3A_271, %get3A_272, %get3A_273] : memref<18x1x1024x128xf32, #tpu.memory_space<vmem>>, vector<1x1x1024x128xf32>
    %get3A_275 = vector.shape_cast %get3A_274 : vector<1x1x1024x128xf32> to vector<1024x128xf32>
    %add3A_276 = arith.addf %get3A_275, %get3A_3 : vector<1024x128xf32>
    %get3A_277 = arith.constant 13 : index
    %get3A_278 = arith.constant 0 : index
    %get3A_279 = arith.constant 0 : index
    %get3A_280 = vector.load %arg3[%get3A_277, %get3A_278, %get3A_279] : memref<18x128x128xf32, #tpu.memory_space<vmem>>, vector<1x128x128xf32>
    %get3A_281 = vector.shape_cast %get3A_280 : vector<1x128x128xf32> to vector<128x128xf32>
    %dot_general3A_282 = arith.constant dense<0.000000e+00> : vector<1024x128xf32>
    %dot_general3A_283 = tpu.matmul %add3A_276, %get3A_281, %dot_general3A_282 {dimension_numbers = #tpu.dot_dimension_numbers<[1], [0], [0], [1], [0, 0, 1, 1], [], []>, transpose_lhs_hint = false} : vector<1024x128xf32>, vector<128x128xf32>, vector<1024x128xf32> -> vector<1024x128xf32>
    %get3A_284 = arith.constant 0 : index
    %get3A_285 = arith.constant 0 : index
    %get3A_286 = vector.load %arg10[%get3A_284, %get3A_285] : memref<1024x128xf32, #tpu.memory_space<vmem>>, vector<1024x128xf32>
    %add3A_287 = arith.addf %get3A_286, %dot_general3A_283 : vector<1024x128xf32>
    %swap3A_288 = arith.constant 0 : index
    %swap3A_289 = arith.constant 0 : index
    %swap3A_290 = vector.load %arg10[%swap3A_288, %swap3A_289] : memref<1024x128xf32, #tpu.memory_space<vmem>>, vector<1024x128xf32>
    tpu.vector_store %arg10[%swap3A_288, %swap3A_289], %add3A_287 {strides = array<i32>} : memref<1024x128xf32, #tpu.memory_space<vmem>>, vector<1024x128xf32>,
    %get3A_291 = arith.constant 14 : index
    %get3A_292 = arith.constant 0 : index
    %get3A_293 = arith.constant 0 : index
    %get3A_294 = arith.constant 0 : index
    %get3A_295 = vector.load %arg1[%get3A_291, %get3A_292, %get3A_293, %get3A_294] : memref<18x1x1024x128xf32, #tpu.memory_space<vmem>>, vector<1x1x1024x128xf32>
    %get3A_296 = vector.shape_cast %get3A_295 : vector<1x1x1024x128xf32> to vector<1024x128xf32>
    %add3A_297 = arith.addf %get3A_296, %get3A_3 : vector<1024x128xf32>
    %get3A_298 = arith.constant 14 : index
    %get3A_299 = arith.constant 0 : index
    %get3A_300 = arith.constant 0 : index
    %get3A_301 = vector.load %arg3[%get3A_298, %get3A_299, %get3A_300] : memref<18x128x128xf32, #tpu.memory_space<vmem>>, vector<1x128x128xf32>
    %get3A_302 = vector.shape_cast %get3A_301 : vector<1x128x128xf32> to vector<128x128xf32>
    %dot_general3A_303 = arith.constant dense<0.000000e+00> : vector<1024x128xf32>
    %dot_general3A_304 = tpu.matmul %add3A_297, %get3A_302, %dot_general3A_303 {dimension_numbers = #tpu.dot_dimension_numbers<[1], [0], [0], [1], [0, 0, 1, 1], [], []>, transpose_lhs_hint = false} : vector<1024x128xf32>, vector<128x128xf32>, vector<1024x128xf32> -> vector<1024x128xf32>
    %get3A_305 = arith.constant 0 : index
    %get3A_306 = arith.constant 0 : index
    %get3A_307 = vector.load %arg10[%get3A_305, %get3A_306] : memref<1024x128xf32, #tpu.memory_space<vmem>>, vector<1024x128xf32>
    %add3A_308 = arith.addf %get3A_307, %dot_general3A_304 : vector<1024x128xf32>
    %swap3A_309 = arith.constant 0 : index
    %swap3A_310 = arith.constant 0 : index
    %swap3A_311 = vector.load %arg10[%swap3A_309, %swap3A_310] : memref<1024x128xf32, #tpu.memory_space<vmem>>, vector<1024x128xf32>
    tpu.vector_store %arg10[%swap3A_309, %swap3A_310], %add3A_308 {strides = array<i32>} : memref<1024x128xf32, #tpu.memory_space<vmem>>, vector<1024x128xf32>,
    %get3A_312 = arith.constant 15 : index
    %get3A_313 = arith.constant 0 : index
    %get3A_314 = arith.constant 0 : index
    %get3A_315 = arith.constant 0 : index
    %get3A_316 = vector.load %arg1[%get3A_312, %get3A_313, %get3A_314, %get3A_315] : memref<18x1x1024x128xf32, #tpu.memory_space<vmem>>, vector<1x1x1024x128xf32>
    %get3A_317 = vector.shape_cast %get3A_316 : vector<1x1x1024x128xf32> to vector<1024x128xf32>
    %add3A_318 = arith.addf %get3A_317, %get3A_3 : vector<1024x128xf32>
    %get3A_319 = arith.constant 15 : index
    %get3A_320 = arith.constant 0 : index
    %get3A_321 = arith.constant 0 : index
    %get3A_322 = vector.load %arg3[%get3A_319, %get3A_320, %get3A_321] : memref<18x128x128xf32, #tpu.memory_space<vmem>>, vector<1x128x128xf32>
    %get3A_323 = vector.shape_cast %get3A_322 : vector<1x128x128xf32> to vector<128x128xf32>
    %dot_general3A_324 = arith.constant dense<0.000000e+00> : vector<1024x128xf32>
    %dot_general3A_325 = tpu.matmul %add3A_318, %get3A_323, %dot_general3A_324 {dimension_numbers = #tpu.dot_dimension_numbers<[1], [0], [0], [1], [0, 0, 1, 1], [], []>, transpose_lhs_hint = false} : vector<1024x128xf32>, vector<128x128xf32>, vector<1024x128xf32> -> vector<1024x128xf32>
    %get3A_326 = arith.constant 0 : index
    %get3A_327 = arith.constant 0 : index
    %get3A_328 = vector.load %arg10[%get3A_326, %get3A_327] : memref<1024x128xf32, #tpu.memory_space<vmem>>, vector<1024x128xf32>
    %add3A_329 = arith.addf %get3A_328, %dot_general3A_325 : vector<1024x128xf32>
    %swap3A_330 = arith.constant 0 : index
    %swap3A_331 = arith.constant 0 : index
    %swap3A_332 = vector.load %arg10[%swap3A_330, %swap3A_331] : memref<1024x128xf32, #tpu.memory_space<vmem>>, vector<1024x128xf32>
    tpu.vector_store %arg10[%swap3A_330, %swap3A_331], %add3A_329 {strides = array<i32>} : memref<1024x128xf32, #tpu.memory_space<vmem>>, vector<1024x128xf32>,
    %get3A_333 = arith.constant 16 : index
    %get3A_334 = arith.constant 0 : index
    %get3A_335 = arith.constant 0 : index
    %get3A_336 = arith.constant 0 : index
    %get3A_337 = vector.load %arg1[%get3A_333, %get3A_334, %get3A_335, %get3A_336] : memref<18x1x1024x128xf32, #tpu.memory_space<vmem>>, vector<1x1x1024x128xf32>
    %get3A_338 = vector.shape_cast %get3A_337 : vector<1x1x1024x128xf32> to vector<1024x128xf32>
    %add3A_339 = arith.addf %get3A_338, %get3A_3 : vector<1024x128xf32>
    %get3A_340 = arith.constant 16 : index
    %get3A_341 = arith.constant 0 : index
    %get3A_342 = arith.constant 0 : index
    %get3A_343 = vector.load %arg3[%get3A_340, %get3A_341, %get3A_342] : memref<18x128x128xf32, #tpu.memory_space<vmem>>, vector<1x128x128xf32>
    %get3A_344 = vector.shape_cast %get3A_343 : vector<1x128x128xf32> to vector<128x128xf32>
    %dot_general3A_345 = arith.constant dense<0.000000e+00> : vector<1024x128xf32>
    %dot_general3A_346 = tpu.matmul %add3A_339, %get3A_344, %dot_general3A_345 {dimension_numbers = #tpu.dot_dimension_numbers<[1], [0], [0], [1], [0, 0, 1, 1], [], []>, transpose_lhs_hint = false} : vector<1024x128xf32>, vector<128x128xf32>, vector<1024x128xf32> -> vector<1024x128xf32>
    %get3A_347 = arith.constant 0 : index
    %get3A_348 = arith.constant 0 : index
    %get3A_349 = vector.load %arg10[%get3A_347, %get3A_348] : memref<1024x128xf32, #tpu.memory_space<vmem>>, vector<1024x128xf32>
    %add3A_350 = arith.addf %get3A_349, %dot_general3A_346 : vector<1024x128xf32>
    %swap3A_351 = arith.constant 0 : index
    %swap3A_352 = arith.constant 0 : index
    %swap3A_353 = vector.load %arg10[%swap3A_351, %swap3A_352] : memref<1024x128xf32, #tpu.memory_space<vmem>>, vector<1024x128xf32>
    tpu.vector_store %arg10[%swap3A_351, %swap3A_352], %add3A_350 {strides = array<i32>} : memref<1024x128xf32, #tpu.memory_space<vmem>>, vector<1024x128xf32>,
    %get3A_354 = arith.constant 17 : index
    %get3A_355 = arith.constant 0 : index
    %get3A_356 = arith.constant 0 : index
    %get3A_357 = arith.constant 0 : index
    %get3A_358 = vector.load %arg1[%get3A_354, %get3A_355, %get3A_356, %get3A_357] : memref<18x1x1024x128xf32, #tpu.memory_space<vmem>>, vector<1x1x1024x128xf32>
    %get3A_359 = vector.shape_cast %get3A_358 : vector<1x1x1024x128xf32> to vector<1024x128xf32>
    %add3A_360 = arith.addf %get3A_359, %get3A_3 : vector<1024x128xf32>
    %get3A_361 = arith.constant 17 : index
    %get3A_362 = arith.constant 0 : index
    %get3A_363 = arith.constant 0 : index
    %get3A_364 = vector.load %arg3[%get3A_361, %get3A_362, %get3A_363] : memref<18x128x128xf32, #tpu.memory_space<vmem>>, vector<1x128x128xf32>
    %get3A_365 = vector.shape_cast %get3A_364 : vector<1x128x128xf32> to vector<128x128xf32>
    %dot_general3A_366 = arith.constant dense<0.000000e+00> : vector<1024x128xf32>
    %dot_general3A_367 = tpu.matmul %add3A_360, %get3A_365, %dot_general3A_366 {dimension_numbers = #tpu.dot_dimension_numbers<[1], [0], [0], [1], [0, 0, 1, 1], [], []>, transpose_lhs_hint = false} : vector<1024x128xf32>, vector<128x128xf32>, vector<1024x128xf32> -> vector<1024x128xf32>
    %get3A_368 = arith.constant 0 : index
    %get3A_369 = arith.constant 0 : index
    %get3A_370 = vector.load %arg10[%get3A_368, %get3A_369] : memref<1024x128xf32, #tpu.memory_space<vmem>>, vector<1024x128xf32>
    %add3A_371 = arith.addf %get3A_370, %dot_general3A_367 : vector<1024x128xf32>
    %swap3A_372 = arith.constant 0 : index
    %swap3A_373 = arith.constant 0 : index
    %swap3A_374 = vector.load %arg10[%swap3A_372, %swap3A_373] : memref<1024x128xf32, #tpu.memory_space<vmem>>, vector<1024x128xf32>
    tpu.vector_store %arg10[%swap3A_372, %swap3A_373], %add3A_371 {strides = array<i32>} : memref<1024x128xf32, #tpu.memory_space<vmem>>, vector<1024x128xf32>,
    %get3A_375 = arith.constant 0 : index
    %get3A_376 = arith.constant 0 : index
    %get3A_377 = vector.load %arg10[%get3A_375, %get3A_376] : memref<1024x128xf32, #tpu.memory_space<vmem>>, vector<1024x128xf32>
    %slice3A = vector.extract_strided_slice %get3A_377 {offsets = [0, 0], sizes = [1024, 1], strides = [1, 1]} : vector<1024x128xf32> to vector<1024x1xf32>
    %squeeze3A = vector.shape_cast %slice3A : vector<1024x1xf32> to vector<1024xf32>
    %neg3A = arith.constant 0.000000e+00 : f32
    %neg3A_378 = vector.broadcast %neg3A : f32 to vector<1024xf32>
    %neg3A_379 = arith.subf %neg3A_378, %squeeze3A : vector<1024xf32>
    %exp3A = math.exp %neg3A_379 : vector<1024xf32>
    %add3A_380 = arith.constant 1.000000e+00 : f32
    %add3A_381 = vector.broadcast %add3A_380 : f32 to vector<1024xf32>
    %add3A_382 = arith.addf %add3A_381, %exp3A : vector<1024xf32>
    %div3A = arith.constant 1.000000e+00 : f32
    %div3A_383 = vector.broadcast %div3A : f32 to vector<1024xf32>
    %div3A_384 = arith.divf %div3A_383, %add3A_382 : vector<1024xf32>
    %swap3A_385 = arith.constant 0 : index
    %swap3A_386 = arith.constant 0 : index
    %swap3A_387 = arith.constant 0 : index
    %swap3A_388 = vector.load %arg5[%swap3A_385, %swap3A_386, %swap3A_387] : memref<1x1x1024xf32, #tpu.memory_space<vmem>>, vector<1x1x1024xf32>
    %swap3A_389 = vector.shape_cast %swap3A_388 : vector<1x1x1024xf32> to vector<1024xf32>
    %swap3A_390 = vector.shape_cast %div3A_384 : vector<1024xf32> to vector<1x1x1024xf32>
    tpu.vector_store %arg5[%swap3A_385, %swap3A_386, %swap3A_387], %swap3A_390 {strides = array<i32>} : memref<1x1x1024xf32, #tpu.memory_space<vmem>>, vector<1x1x1024xf32>,
    %slice3A_391 = vector.extract_strided_slice %get3A_377 {offsets = [0, 1], sizes = [1024, 1], strides = [1, 1]} : vector<1024x128xf32> to vector<1024x1xf32>
    %squeeze3A_392 = vector.shape_cast %slice3A_391 : vector<1024x1xf32> to vector<1024xf32>
    %neg3A_393 = arith.constant 0.000000e+00 : f32
    %neg3A_394 = vector.broadcast %neg3A_393 : f32 to vector<1024xf32>
    %neg3A_395 = arith.subf %neg3A_394, %squeeze3A_392 : vector<1024xf32>
    %exp3A_396 = math.exp %neg3A_395 : vector<1024xf32>
    %add3A_397 = arith.constant 1.000000e+00 : f32
    %add3A_398 = vector.broadcast %add3A_397 : f32 to vector<1024xf32>
    %add3A_399 = arith.addf %add3A_398, %exp3A_396 : vector<1024xf32>
    %div3A_400 = arith.constant 1.000000e+00 : f32
    %div3A_401 = vector.broadcast %div3A_400 : f32 to vector<1024xf32>
    %div3A_402 = arith.divf %div3A_401, %add3A_399 : vector<1024xf32>
    %swap3A_403 = arith.constant 0 : index
    %swap3A_404 = arith.constant 0 : index
    %swap3A_405 = arith.constant 0 : index
    %swap3A_406 = vector.load %arg6[%swap3A_403, %swap3A_404, %swap3A_405] : memref<1x1x1024xf32, #tpu.memory_space<vmem>>, vector<1x1x1024xf32>
    %swap3A_407 = vector.shape_cast %swap3A_406 : vector<1x1x1024xf32> to vector<1024xf32>
    %swap3A_408 = vector.shape_cast %div3A_402 : vector<1024xf32> to vector<1x1x1024xf32>
    tpu.vector_store %arg6[%swap3A_403, %swap3A_404, %swap3A_405], %swap3A_408 {strides = array<i32>} : memref<1x1x1024xf32, #tpu.memory_space<vmem>>, vector<1x1x1024xf32>,
    %slice3A_409 = vector.extract_strided_slice %get3A_377 {offsets = [0, 2], sizes = [1024, 2], strides = [1, 1]} : vector<1024x128xf32> to vector<1024x2xf32>
    %swap3A_410 = arith.constant 0 : index
    %swap3A_411 = arith.constant 0 : index
    %swap3A_412 = arith.constant 0 : index
    %swap3A_413 = vector.load %arg7[%swap3A_410, %swap3A_411, %swap3A_412] : memref<1x1024x2xf32, #tpu.memory_space<vmem>>, vector<1x1024x2xf32>
    %swap3A_414 = vector.shape_cast %swap3A_413 : vector<1x1024x2xf32> to vector<1024x2xf32>
    %swap3A_415 = vector.shape_cast %slice3A_409 : vector<1024x2xf32> to vector<1x1024x2xf32>
    tpu.vector_store %arg7[%swap3A_410, %swap3A_411, %swap3A_412], %swap3A_415 {strides = array<i32>} : memref<1x1024x2xf32, #tpu.memory_space<vmem>>, vector<1x1024x2xf32>,
    %slice3A_416 = vector.extract_strided_slice %get3A_377 {offsets = [0, 4], sizes = [1024, 72], strides = [1, 1]} : vector<1024x128xf32> to vector<1024x72xf32>
    %swap3A_417 = arith.constant 0 : index
    %swap3A_418 = arith.constant 0 : index
    %swap3A_419 = arith.constant 0 : index
    %swap3A_420 = vector.load %arg8[%swap3A_417, %swap3A_418, %swap3A_419] : memref<1x1024x72xf32, #tpu.memory_space<vmem>>, vector<1x1024x72xf32>
    %swap3A_421 = vector.shape_cast %swap3A_420 : vector<1x1024x72xf32> to vector<1024x72xf32>
    %swap3A_422 = vector.shape_cast %slice3A_416 : vector<1024x72xf32> to vector<1x1024x72xf32>
    tpu.vector_store %arg8[%swap3A_417, %swap3A_418, %swap3A_419], %swap3A_422 {strides = array<i32>} : memref<1x1024x72xf32, #tpu.memory_space<vmem>>, vector<1x1024x72xf32>,
    %get3A_423 = arith.constant 0 : index
    %get3A_424 = arith.constant 0 : index
    %get3A_425 = arith.constant 0 : index
    %get3A_426 = vector.load %arg4[%get3A_423, %get3A_424, %get3A_425] : memref<1x1024x2xf32, #tpu.memory_space<vmem>>, vector<1x1024x2xf32>
    %get3A_427 = vector.shape_cast %get3A_426 : vector<1x1024x2xf32> to vector<1024x2xf32>
    %slice3A_428 = vector.extract_strided_slice %get3A_377 {offsets = [0, 76], sizes = [1024, 8], strides = [1, 1]} : vector<1024x128xf32> to vector<1024x8xf32>
    %concatenate3A = tpu.concatenate %get3A_427, %get3A_427, %get3A_427, %get3A_427 in 1 : vector<1024x2xf32>, vector<1024x2xf32>, vector<1024x2xf32>, vector<1024x2xf32> -> vector<1024x8xf32>
    %add3A_429 = arith.addf %slice3A_428, %concatenate3A : vector<1024x8xf32>
    %swap3A_430 = arith.constant 0 : index
    %swap3A_431 = arith.constant 0 : index
    %swap3A_432 = arith.constant 0 : index
    %swap3A_433 = vector.load %arg9[%swap3A_430, %swap3A_431, %swap3A_432] : memref<1x1024x8xf32, #tpu.memory_space<vmem>>, vector<1x1024x8xf32>
    %swap3A_434 = vector.shape_cast %swap3A_433 : vector<1x1024x8xf32> to vector<1024x8xf32>
    %swap3A_435 = vector.shape_cast %add3A_429 : vector<1024x8xf32> to vector<1x1024x8xf32>
    tpu.vector_store %arg9[%swap3A_430, %swap3A_431, %swap3A_432], %swap3A_435 {strides = array<i32>} : memref<1x1024x8xf32, #tpu.memory_space<vmem>>, vector<1x1024x8xf32>,
    return
  }
  func.func @transform_0(%arg0: i32) -> (i32, i32, i32, i32) {
    %c0_i32 = arith.constant 0 : i32
    %c0_i32_0 = arith.constant 0 : i32
    %c0_i32_1 = arith.constant 0 : i32
    %c0_i32_2 = arith.constant 0 : i32
    return %c0_i32, %arg0, %c0_i32_0, %c0_i32_1 : i32, i32, i32, i32
  }
  func.func @transform_1(%arg0: i32) -> (i32, i32, i32) {
    %c0_i32 = arith.constant 0 : i32
    %c0_i32_0 = arith.constant 0 : i32
    %c0_i32_1 = arith.constant 0 : i32
    return %arg0, %c0_i32, %c0_i32_0 : i32, i32, i32
  }
  func.func @transform_2(%arg0: i32) -> (i32, i32, i32) {
    %c0_i32 = arith.constant 0 : i32
    %c0_i32_0 = arith.constant 0 : i32
    %c0_i32_1 = arith.constant 0 : i32
    %c0_i32_2 = arith.constant 0 : i32
    return %c0_i32, %c0_i32_0, %c0_i32_1 : i32, i32, i32
  }
  func.func @transform_3(%arg0: i32) -> (i32, i32, i32) {
    %c0_i32 = arith.constant 0 : i32
    %c0_i32_0 = arith.constant 0 : i32
    %c0_i32_1 = arith.constant 0 : i32
    return %arg0, %c0_i32, %c0_i32_0 : i32, i32, i32
  }
  func.func @transform_4(%arg0: i32) -> (i32, i32, i32) {
    %c0_i32 = arith.constant 0 : i32
    %c0_i32_0 = arith.constant 0 : i32
    %c0_i32_1 = arith.constant 0 : i32
    return %arg0, %c0_i32, %c0_i32_0 : i32, i32, i32
  }
  func.func @transform_5(%arg0: i32) -> (i32, i32, i32) {
    %c0_i32 = arith.constant 0 : i32
    %c0_i32_0 = arith.constant 0 : i32
    %c0_i32_1 = arith.constant 0 : i32
    return %arg0, %c0_i32, %c0_i32_0 : i32, i32, i32
  }
  func.func @transform_6(%arg0: i32) -> (i32, i32, i32) {
    %c0_i32 = arith.constant 0 : i32
    %c0_i32_0 = arith.constant 0 : i32
    %c0_i32_1 = arith.constant 0 : i32
    return %arg0, %c0_i32, %c0_i32_0 : i32, i32, i32
  }
  func.func @transform_7(%arg0: i32) -> (i32, i32, i32) {
    %c0_i32 = arith.constant 0 : i32
    %c0_i32_0 = arith.constant 0 : i32
    %c0_i32_1 = arith.constant 0 : i32
    return %arg0, %c0_i32, %c0_i32_0 : i32, i32, i32
  }
  func.func @transform_8(%arg0: i32) -> (i32, i32, i32) {
    %c0_i32 = arith.constant 0 : i32
    %c0_i32_0 = arith.constant 0 : i32
    %c0_i32_1 = arith.constant 0 : i32
    return %arg0, %c0_i32, %c0_i32_0 : i32, i32, i32
  }
}

module attributes {stable_mosaic.version = 14 : i64} {
  func.func @_nms_kernel(%arg0: memref<4x1x1024xf32, #tpu.memory_space<vmem>>, %arg1: memref<4x1024x72xf32, #tpu.memory_space<vmem>>, %arg2: memref<4x1x64xi32, #tpu.memory_space<vmem>>, %arg3: memref<4x1x64xi32, #tpu.memory_space<vmem>>, %arg4: memref<4x64x64xf32, #tpu.memory_space<vmem>>) attributes {dimension_semantics = [], scalar_prefetch = 0 : i64, scratch_operands = 1 : i64, tpu.core_type = #tpu.core_type<tc>} {
    %iota3A = tpu.iota {dimensions = array<i32: 1>} : vector<1x1024xi32>
    %iota3A_0 = tpu.iota {dimensions = array<i32: 0>} : vector<1024x1xi32>
    %iota3A_1 = tpu.iota {dimensions = array<i32: 0>} : vector<64x1xi32>
    %convert_element_type3A = arith.sitofp %iota3A_1 : vector<64x1xi32> to vector<64x1xf32>
    %convert_element_type3A_2 = arith.sitofp %iota3A_0 : vector<1024x1xi32> to vector<1024x1xf32>
    %broadcast_in_dim3A = arith.constant 1.000000e+00 : f32
    %broadcast_in_dim3A_3 = vector.broadcast %broadcast_in_dim3A : f32 to vector<1024x128xf32>
    %lt3A = arith.constant 1000 : i32
    %lt3A_4 = vector.broadcast %lt3A : i32 to vector<1x1024xi32>
    %lt3A_5 = arith.cmpi slt, %iota3A, %lt3A_4 : vector<1x1024xi32>
    %get3A = arith.constant 0 : index
    %get3A_6 = arith.constant 0 : index
    %get3A_7 = arith.constant 0 : index
    %get3A_8 = vector.load %arg0[%get3A, %get3A_6, %get3A_7] : memref<4x1x1024xf32, #tpu.memory_space<vmem>>, vector<1x1x1024xf32>
    %get3A_9 = vector.shape_cast %get3A_8 : vector<1x1x1024xf32> to vector<1024xf32>
    %reshape3A = vector.shape_cast %get3A_9 : vector<1024xf32> to vector<1x1024xf32>
    %jit3A = arith.constant -1.000000e+00 : f32
    %broadcast_in_dim3A_10 = vector.broadcast %jit3A : f32 to vector<1x1024xf32>
    %select_n3A = arith.select %lt3A_5, %reshape3A, %broadcast_in_dim3A_10 : vector<1x1024xi1>, vector<1x1024xf32>
    %reshape3A_11 = vector.shape_cast %select_n3A : vector<1x1024xf32> to vector<1024x1xf32>
    %gt3A = vector.broadcast %select_n3A : vector<1x1024xf32> to vector<1024x1024xf32>
    %gt3A_12 = vector.broadcast %reshape3A_11 : vector<1024x1xf32> to vector<1024x1024xf32>
    %gt3A_13 = arith.cmpf ogt, %gt3A, %gt3A_12 : vector<1024x1024xf32>
    %eq3A = vector.broadcast %select_n3A : vector<1x1024xf32> to vector<1024x1024xf32>
    %eq3A_14 = vector.broadcast %reshape3A_11 : vector<1024x1xf32> to vector<1024x1024xf32>
    %eq3A_15 = arith.cmpf oeq, %eq3A, %eq3A_14 : vector<1024x1024xf32>
    %lt3A_16 = vector.broadcast %iota3A : vector<1x1024xi32> to vector<1024x1024xi32>
    %lt3A_17 = vector.broadcast %iota3A_0 : vector<1024x1xi32> to vector<1024x1024xi32>
    %lt3A_18 = arith.cmpi slt, %lt3A_16, %lt3A_17 : vector<1024x1024xi32>
    %and3A = arith.andi %eq3A_15, %lt3A_18 : vector<1024x1024xi1>
    %or3A = arith.ori %gt3A_13, %and3A : vector<1024x1024xi1>
    %convert_element_type3A_19 = arith.extui %or3A : vector<1024x1024xi1> to vector<1024x1024xi32>
    %convert_element_type3A_20 = arith.sitofp %convert_element_type3A_19 : vector<1024x1024xi32> to vector<1024x1024xf32>
    %dot_general3A = arith.constant dense<0.000000e+00> : vector<1024x128xf32>
    %dot_general3A_21 = tpu.matmul %convert_element_type3A_20, %broadcast_in_dim3A_3, %dot_general3A {dimension_numbers = #tpu.dot_dimension_numbers<[1], [0], [0], [1], [0, 0, 1, 1], [], []>, transpose_lhs_hint = false} : vector<1024x1024xf32>, vector<1024x128xf32>, vector<1024x128xf32> -> vector<1024x128xf32>
    %slice3A = vector.extract_strided_slice %dot_general3A_21 {offsets = [0, 0], sizes = [1024, 1], strides = [1, 1]} : vector<1024x128xf32> to vector<1024x1xf32>
    %reshape3A_22 = vector.shape_cast %slice3A : vector<1024x1xf32> to vector<1x1024xf32>
    %eq3A_23 = vector.broadcast %convert_element_type3A : vector<64x1xf32> to vector<64x1024xf32>
    %eq3A_24 = vector.broadcast %reshape3A_22 : vector<1x1024xf32> to vector<64x1024xf32>
    %eq3A_25 = arith.cmpf oeq, %eq3A_23, %eq3A_24 : vector<64x1024xf32>
    %convert_element_type3A_26 = arith.extui %eq3A_25 : vector<64x1024xi1> to vector<64x1024xi32>
    %convert_element_type3A_27 = arith.sitofp %convert_element_type3A_26 : vector<64x1024xi32> to vector<64x1024xf32>
    %get3A_28 = arith.constant 0 : index
    %get3A_29 = arith.constant 0 : index
    %get3A_30 = arith.constant 0 : index
    %get3A_31 = vector.load %arg1[%get3A_28, %get3A_29, %get3A_30] : memref<4x1024x72xf32, #tpu.memory_space<vmem>>, vector<1x1024x72xf32>
    %get3A_32 = vector.shape_cast %get3A_31 : vector<1x1024x72xf32> to vector<1024x72xf32>
    %concatenate3A = tpu.concatenate %convert_element_type3A_2, %reshape3A_11, %get3A_32 in 1 : vector<1024x1xf32>, vector<1024x1xf32>, vector<1024x72xf32> -> vector<1024x74xf32>
    %dot_general3A_33 = arith.constant dense<0.000000e+00> : vector<64x74xf32>
    %dot_general3A_34 = tpu.matmul %convert_element_type3A_27, %concatenate3A, %dot_general3A_33 {dimension_numbers = #tpu.dot_dimension_numbers<[1], [0], [0], [1], [0, 0, 1, 1], [], []>, precision = #tpu.contract_precision<fp32>, transpose_lhs_hint = false} : vector<64x1024xf32>, vector<1024x74xf32>, vector<64x74xf32> -> vector<64x74xf32>
    %slice3A_35 = vector.extract_strided_slice %dot_general3A_34 {offsets = [0, 0], sizes = [64, 1], strides = [1, 1]} : vector<64x74xf32> to vector<64x1xf32>
    %squeeze3A = vector.shape_cast %slice3A_35 : vector<64x1xf32> to vector<64xf32>
    %convert_element_type3A_36 = arith.fptosi %squeeze3A : vector<64xf32> to vector<64xi32>
    %slice3A_37 = vector.extract_strided_slice %dot_general3A_34 {offsets = [0, 1], sizes = [64, 1], strides = [1, 1]} : vector<64x74xf32> to vector<64x1xf32>
    %squeeze3A_38 = vector.shape_cast %slice3A_37 : vector<64x1xf32> to vector<64xf32>
    %slice3A_39 = vector.extract_strided_slice %dot_general3A_34 {offsets = [0, 2], sizes = [64, 72], strides = [1, 1]} : vector<64x74xf32> to vector<64x72xf32>
    %transpose3A = tpu.transpose %slice3A_39, [1, 0] : vector<64x72xf32> -> vector<72x64xf32>
    %broadcast_in_dim3A_40 = vector.shape_cast %transpose3A : vector<72x64xf32> to vector<72x64x1xf32>
    %broadcast_in_dim3A_41 = vector.shape_cast %transpose3A : vector<72x64xf32> to vector<72x1x64xf32>
    %sub3A = vector.broadcast %broadcast_in_dim3A_40 : vector<72x64x1xf32> to vector<72x64x64xf32>
    %sub3A_42 = vector.broadcast %broadcast_in_dim3A_41 : vector<72x1x64xf32> to vector<72x64x64xf32>
    %sub3A_43 = arith.subf %sub3A, %sub3A_42 : vector<72x64x64xf32>
    %abs3A = math.absf %sub3A_43 : vector<72x64x64xf32>
    %reduce_sum3A = arith.constant dense<0.000000e+00> : vector<64x64xf32>
    %reduce_sum3A_44 = vector.multi_reduction <add>, %abs3A, %reduce_sum3A [0] : vector<72x64x64xf32> to vector<64x64xf32>
    %div3A = arith.constant 7.200000e+01 : f32
    %div3A_45 = vector.broadcast %div3A : f32 to vector<64x64xf32>
    %div3A_46 = arith.divf %reduce_sum3A_44, %div3A_45 : vector<64x64xf32>
    %swap3A = arith.constant 0 : index
    %swap3A_47 = arith.constant 0 : index
    %swap3A_48 = arith.constant 0 : index
    %swap3A_49 = vector.load %arg4[%swap3A, %swap3A_47, %swap3A_48] : memref<4x64x64xf32, #tpu.memory_space<vmem>>, vector<1x64x64xf32>
    %swap3A_50 = vector.shape_cast %swap3A_49 : vector<1x64x64xf32> to vector<64x64xf32>
    %swap3A_51 = vector.shape_cast %div3A_46 : vector<64x64xf32> to vector<1x64x64xf32>
    tpu.vector_store %arg4[%swap3A, %swap3A_47, %swap3A_48], %swap3A_51 {strides = array<i32>} : memref<4x64x64xf32, #tpu.memory_space<vmem>>, vector<1x64x64xf32>,
    %lt3A_52 = arith.constant 1000 : i32
    %lt3A_53 = vector.broadcast %lt3A_52 : i32 to vector<1x1024xi32>
    %lt3A_54 = arith.cmpi slt, %iota3A, %lt3A_53 : vector<1x1024xi32>
    %get3A_55 = arith.constant 1 : index
    %get3A_56 = arith.constant 0 : index
    %get3A_57 = arith.constant 0 : index
    %get3A_58 = vector.load %arg0[%get3A_55, %get3A_56, %get3A_57] : memref<4x1x1024xf32, #tpu.memory_space<vmem>>, vector<1x1x1024xf32>
    %get3A_59 = vector.shape_cast %get3A_58 : vector<1x1x1024xf32> to vector<1024xf32>
    %reshape3A_60 = vector.shape_cast %get3A_59 : vector<1024xf32> to vector<1x1024xf32>
    %jit3A_61 = arith.constant -1.000000e+00 : f32
    %broadcast_in_dim3A_62 = vector.broadcast %jit3A_61 : f32 to vector<1x1024xf32>
    %select_n3A_63 = arith.select %lt3A_54, %reshape3A_60, %broadcast_in_dim3A_62 : vector<1x1024xi1>, vector<1x1024xf32>
    %reshape3A_64 = vector.shape_cast %select_n3A_63 : vector<1x1024xf32> to vector<1024x1xf32>
    %gt3A_65 = vector.broadcast %select_n3A_63 : vector<1x1024xf32> to vector<1024x1024xf32>
    %gt3A_66 = vector.broadcast %reshape3A_64 : vector<1024x1xf32> to vector<1024x1024xf32>
    %gt3A_67 = arith.cmpf ogt, %gt3A_65, %gt3A_66 : vector<1024x1024xf32>
    %eq3A_68 = vector.broadcast %select_n3A_63 : vector<1x1024xf32> to vector<1024x1024xf32>
    %eq3A_69 = vector.broadcast %reshape3A_64 : vector<1024x1xf32> to vector<1024x1024xf32>
    %eq3A_70 = arith.cmpf oeq, %eq3A_68, %eq3A_69 : vector<1024x1024xf32>
    %lt3A_71 = vector.broadcast %iota3A : vector<1x1024xi32> to vector<1024x1024xi32>
    %lt3A_72 = vector.broadcast %iota3A_0 : vector<1024x1xi32> to vector<1024x1024xi32>
    %lt3A_73 = arith.cmpi slt, %lt3A_71, %lt3A_72 : vector<1024x1024xi32>
    %and3A_74 = arith.andi %eq3A_70, %lt3A_73 : vector<1024x1024xi1>
    %or3A_75 = arith.ori %gt3A_67, %and3A_74 : vector<1024x1024xi1>
    %convert_element_type3A_76 = arith.extui %or3A_75 : vector<1024x1024xi1> to vector<1024x1024xi32>
    %convert_element_type3A_77 = arith.sitofp %convert_element_type3A_76 : vector<1024x1024xi32> to vector<1024x1024xf32>
    %dot_general3A_78 = arith.constant dense<0.000000e+00> : vector<1024x128xf32>
    %dot_general3A_79 = tpu.matmul %convert_element_type3A_77, %broadcast_in_dim3A_3, %dot_general3A_78 {dimension_numbers = #tpu.dot_dimension_numbers<[1], [0], [0], [1], [0, 0, 1, 1], [], []>, transpose_lhs_hint = false} : vector<1024x1024xf32>, vector<1024x128xf32>, vector<1024x128xf32> -> vector<1024x128xf32>
    %slice3A_80 = vector.extract_strided_slice %dot_general3A_79 {offsets = [0, 0], sizes = [1024, 1], strides = [1, 1]} : vector<1024x128xf32> to vector<1024x1xf32>
    %reshape3A_81 = vector.shape_cast %slice3A_80 : vector<1024x1xf32> to vector<1x1024xf32>
    %eq3A_82 = vector.broadcast %convert_element_type3A : vector<64x1xf32> to vector<64x1024xf32>
    %eq3A_83 = vector.broadcast %reshape3A_81 : vector<1x1024xf32> to vector<64x1024xf32>
    %eq3A_84 = arith.cmpf oeq, %eq3A_82, %eq3A_83 : vector<64x1024xf32>
    %convert_element_type3A_85 = arith.extui %eq3A_84 : vector<64x1024xi1> to vector<64x1024xi32>
    %convert_element_type3A_86 = arith.sitofp %convert_element_type3A_85 : vector<64x1024xi32> to vector<64x1024xf32>
    %get3A_87 = arith.constant 1 : index
    %get3A_88 = arith.constant 0 : index
    %get3A_89 = arith.constant 0 : index
    %get3A_90 = vector.load %arg1[%get3A_87, %get3A_88, %get3A_89] : memref<4x1024x72xf32, #tpu.memory_space<vmem>>, vector<1x1024x72xf32>
    %get3A_91 = vector.shape_cast %get3A_90 : vector<1x1024x72xf32> to vector<1024x72xf32>
    %concatenate3A_92 = tpu.concatenate %convert_element_type3A_2, %reshape3A_64, %get3A_91 in 1 : vector<1024x1xf32>, vector<1024x1xf32>, vector<1024x72xf32> -> vector<1024x74xf32>
    %dot_general3A_93 = arith.constant dense<0.000000e+00> : vector<64x74xf32>
    %dot_general3A_94 = tpu.matmul %convert_element_type3A_86, %concatenate3A_92, %dot_general3A_93 {dimension_numbers = #tpu.dot_dimension_numbers<[1], [0], [0], [1], [0, 0, 1, 1], [], []>, precision = #tpu.contract_precision<fp32>, transpose_lhs_hint = false} : vector<64x1024xf32>, vector<1024x74xf32>, vector<64x74xf32> -> vector<64x74xf32>
    %slice3A_95 = vector.extract_strided_slice %dot_general3A_94 {offsets = [0, 0], sizes = [64, 1], strides = [1, 1]} : vector<64x74xf32> to vector<64x1xf32>
    %squeeze3A_96 = vector.shape_cast %slice3A_95 : vector<64x1xf32> to vector<64xf32>
    %convert_element_type3A_97 = arith.fptosi %squeeze3A_96 : vector<64xf32> to vector<64xi32>
    %slice3A_98 = vector.extract_strided_slice %dot_general3A_94 {offsets = [0, 1], sizes = [64, 1], strides = [1, 1]} : vector<64x74xf32> to vector<64x1xf32>
    %squeeze3A_99 = vector.shape_cast %slice3A_98 : vector<64x1xf32> to vector<64xf32>
    %slice3A_100 = vector.extract_strided_slice %dot_general3A_94 {offsets = [0, 2], sizes = [64, 72], strides = [1, 1]} : vector<64x74xf32> to vector<64x72xf32>
    %transpose3A_101 = tpu.transpose %slice3A_100, [1, 0] : vector<64x72xf32> -> vector<72x64xf32>
    %broadcast_in_dim3A_102 = vector.shape_cast %transpose3A_101 : vector<72x64xf32> to vector<72x64x1xf32>
    %broadcast_in_dim3A_103 = vector.shape_cast %transpose3A_101 : vector<72x64xf32> to vector<72x1x64xf32>
    %sub3A_104 = vector.broadcast %broadcast_in_dim3A_102 : vector<72x64x1xf32> to vector<72x64x64xf32>
    %sub3A_105 = vector.broadcast %broadcast_in_dim3A_103 : vector<72x1x64xf32> to vector<72x64x64xf32>
    %sub3A_106 = arith.subf %sub3A_104, %sub3A_105 : vector<72x64x64xf32>
    %abs3A_107 = math.absf %sub3A_106 : vector<72x64x64xf32>
    %reduce_sum3A_108 = arith.constant dense<0.000000e+00> : vector<64x64xf32>
    %reduce_sum3A_109 = vector.multi_reduction <add>, %abs3A_107, %reduce_sum3A_108 [0] : vector<72x64x64xf32> to vector<64x64xf32>
    %div3A_110 = arith.constant 7.200000e+01 : f32
    %div3A_111 = vector.broadcast %div3A_110 : f32 to vector<64x64xf32>
    %div3A_112 = arith.divf %reduce_sum3A_109, %div3A_111 : vector<64x64xf32>
    %swap3A_113 = arith.constant 1 : index
    %swap3A_114 = arith.constant 0 : index
    %swap3A_115 = arith.constant 0 : index
    %swap3A_116 = vector.load %arg4[%swap3A_113, %swap3A_114, %swap3A_115] : memref<4x64x64xf32, #tpu.memory_space<vmem>>, vector<1x64x64xf32>
    %swap3A_117 = vector.shape_cast %swap3A_116 : vector<1x64x64xf32> to vector<64x64xf32>
    %swap3A_118 = vector.shape_cast %div3A_112 : vector<64x64xf32> to vector<1x64x64xf32>
    tpu.vector_store %arg4[%swap3A_113, %swap3A_114, %swap3A_115], %swap3A_118 {strides = array<i32>} : memref<4x64x64xf32, #tpu.memory_space<vmem>>, vector<1x64x64xf32>,
    %lt3A_119 = arith.constant 1000 : i32
    %lt3A_120 = vector.broadcast %lt3A_119 : i32 to vector<1x1024xi32>
    %lt3A_121 = arith.cmpi slt, %iota3A, %lt3A_120 : vector<1x1024xi32>
    %get3A_122 = arith.constant 2 : index
    %get3A_123 = arith.constant 0 : index
    %get3A_124 = arith.constant 0 : index
    %get3A_125 = vector.load %arg0[%get3A_122, %get3A_123, %get3A_124] : memref<4x1x1024xf32, #tpu.memory_space<vmem>>, vector<1x1x1024xf32>
    %get3A_126 = vector.shape_cast %get3A_125 : vector<1x1x1024xf32> to vector<1024xf32>
    %reshape3A_127 = vector.shape_cast %get3A_126 : vector<1024xf32> to vector<1x1024xf32>
    %jit3A_128 = arith.constant -1.000000e+00 : f32
    %broadcast_in_dim3A_129 = vector.broadcast %jit3A_128 : f32 to vector<1x1024xf32>
    %select_n3A_130 = arith.select %lt3A_121, %reshape3A_127, %broadcast_in_dim3A_129 : vector<1x1024xi1>, vector<1x1024xf32>
    %reshape3A_131 = vector.shape_cast %select_n3A_130 : vector<1x1024xf32> to vector<1024x1xf32>
    %gt3A_132 = vector.broadcast %select_n3A_130 : vector<1x1024xf32> to vector<1024x1024xf32>
    %gt3A_133 = vector.broadcast %reshape3A_131 : vector<1024x1xf32> to vector<1024x1024xf32>
    %gt3A_134 = arith.cmpf ogt, %gt3A_132, %gt3A_133 : vector<1024x1024xf32>
    %eq3A_135 = vector.broadcast %select_n3A_130 : vector<1x1024xf32> to vector<1024x1024xf32>
    %eq3A_136 = vector.broadcast %reshape3A_131 : vector<1024x1xf32> to vector<1024x1024xf32>
    %eq3A_137 = arith.cmpf oeq, %eq3A_135, %eq3A_136 : vector<1024x1024xf32>
    %lt3A_138 = vector.broadcast %iota3A : vector<1x1024xi32> to vector<1024x1024xi32>
    %lt3A_139 = vector.broadcast %iota3A_0 : vector<1024x1xi32> to vector<1024x1024xi32>
    %lt3A_140 = arith.cmpi slt, %lt3A_138, %lt3A_139 : vector<1024x1024xi32>
    %and3A_141 = arith.andi %eq3A_137, %lt3A_140 : vector<1024x1024xi1>
    %or3A_142 = arith.ori %gt3A_134, %and3A_141 : vector<1024x1024xi1>
    %convert_element_type3A_143 = arith.extui %or3A_142 : vector<1024x1024xi1> to vector<1024x1024xi32>
    %convert_element_type3A_144 = arith.sitofp %convert_element_type3A_143 : vector<1024x1024xi32> to vector<1024x1024xf32>
    %dot_general3A_145 = arith.constant dense<0.000000e+00> : vector<1024x128xf32>
    %dot_general3A_146 = tpu.matmul %convert_element_type3A_144, %broadcast_in_dim3A_3, %dot_general3A_145 {dimension_numbers = #tpu.dot_dimension_numbers<[1], [0], [0], [1], [0, 0, 1, 1], [], []>, transpose_lhs_hint = false} : vector<1024x1024xf32>, vector<1024x128xf32>, vector<1024x128xf32> -> vector<1024x128xf32>
    %slice3A_147 = vector.extract_strided_slice %dot_general3A_146 {offsets = [0, 0], sizes = [1024, 1], strides = [1, 1]} : vector<1024x128xf32> to vector<1024x1xf32>
    %reshape3A_148 = vector.shape_cast %slice3A_147 : vector<1024x1xf32> to vector<1x1024xf32>
    %eq3A_149 = vector.broadcast %convert_element_type3A : vector<64x1xf32> to vector<64x1024xf32>
    %eq3A_150 = vector.broadcast %reshape3A_148 : vector<1x1024xf32> to vector<64x1024xf32>
    %eq3A_151 = arith.cmpf oeq, %eq3A_149, %eq3A_150 : vector<64x1024xf32>
    %convert_element_type3A_152 = arith.extui %eq3A_151 : vector<64x1024xi1> to vector<64x1024xi32>
    %convert_element_type3A_153 = arith.sitofp %convert_element_type3A_152 : vector<64x1024xi32> to vector<64x1024xf32>
    %get3A_154 = arith.constant 2 : index
    %get3A_155 = arith.constant 0 : index
    %get3A_156 = arith.constant 0 : index
    %get3A_157 = vector.load %arg1[%get3A_154, %get3A_155, %get3A_156] : memref<4x1024x72xf32, #tpu.memory_space<vmem>>, vector<1x1024x72xf32>
    %get3A_158 = vector.shape_cast %get3A_157 : vector<1x1024x72xf32> to vector<1024x72xf32>
    %concatenate3A_159 = tpu.concatenate %convert_element_type3A_2, %reshape3A_131, %get3A_158 in 1 : vector<1024x1xf32>, vector<1024x1xf32>, vector<1024x72xf32> -> vector<1024x74xf32>
    %dot_general3A_160 = arith.constant dense<0.000000e+00> : vector<64x74xf32>
    %dot_general3A_161 = tpu.matmul %convert_element_type3A_153, %concatenate3A_159, %dot_general3A_160 {dimension_numbers = #tpu.dot_dimension_numbers<[1], [0], [0], [1], [0, 0, 1, 1], [], []>, precision = #tpu.contract_precision<fp32>, transpose_lhs_hint = false} : vector<64x1024xf32>, vector<1024x74xf32>, vector<64x74xf32> -> vector<64x74xf32>
    %slice3A_162 = vector.extract_strided_slice %dot_general3A_161 {offsets = [0, 0], sizes = [64, 1], strides = [1, 1]} : vector<64x74xf32> to vector<64x1xf32>
    %squeeze3A_163 = vector.shape_cast %slice3A_162 : vector<64x1xf32> to vector<64xf32>
    %convert_element_type3A_164 = arith.fptosi %squeeze3A_163 : vector<64xf32> to vector<64xi32>
    %slice3A_165 = vector.extract_strided_slice %dot_general3A_161 {offsets = [0, 1], sizes = [64, 1], strides = [1, 1]} : vector<64x74xf32> to vector<64x1xf32>
    %squeeze3A_166 = vector.shape_cast %slice3A_165 : vector<64x1xf32> to vector<64xf32>
    %slice3A_167 = vector.extract_strided_slice %dot_general3A_161 {offsets = [0, 2], sizes = [64, 72], strides = [1, 1]} : vector<64x74xf32> to vector<64x72xf32>
    %transpose3A_168 = tpu.transpose %slice3A_167, [1, 0] : vector<64x72xf32> -> vector<72x64xf32>
    %broadcast_in_dim3A_169 = vector.shape_cast %transpose3A_168 : vector<72x64xf32> to vector<72x64x1xf32>
    %broadcast_in_dim3A_170 = vector.shape_cast %transpose3A_168 : vector<72x64xf32> to vector<72x1x64xf32>
    %sub3A_171 = vector.broadcast %broadcast_in_dim3A_169 : vector<72x64x1xf32> to vector<72x64x64xf32>
    %sub3A_172 = vector.broadcast %broadcast_in_dim3A_170 : vector<72x1x64xf32> to vector<72x64x64xf32>
    %sub3A_173 = arith.subf %sub3A_171, %sub3A_172 : vector<72x64x64xf32>
    %abs3A_174 = math.absf %sub3A_173 : vector<72x64x64xf32>
    %reduce_sum3A_175 = arith.constant dense<0.000000e+00> : vector<64x64xf32>
    %reduce_sum3A_176 = vector.multi_reduction <add>, %abs3A_174, %reduce_sum3A_175 [0] : vector<72x64x64xf32> to vector<64x64xf32>
    %div3A_177 = arith.constant 7.200000e+01 : f32
    %div3A_178 = vector.broadcast %div3A_177 : f32 to vector<64x64xf32>
    %div3A_179 = arith.divf %reduce_sum3A_176, %div3A_178 : vector<64x64xf32>
    %swap3A_180 = arith.constant 2 : index
    %swap3A_181 = arith.constant 0 : index
    %swap3A_182 = arith.constant 0 : index
    %swap3A_183 = vector.load %arg4[%swap3A_180, %swap3A_181, %swap3A_182] : memref<4x64x64xf32, #tpu.memory_space<vmem>>, vector<1x64x64xf32>
    %swap3A_184 = vector.shape_cast %swap3A_183 : vector<1x64x64xf32> to vector<64x64xf32>
    %swap3A_185 = vector.shape_cast %div3A_179 : vector<64x64xf32> to vector<1x64x64xf32>
    tpu.vector_store %arg4[%swap3A_180, %swap3A_181, %swap3A_182], %swap3A_185 {strides = array<i32>} : memref<4x64x64xf32, #tpu.memory_space<vmem>>, vector<1x64x64xf32>,
    %lt3A_186 = arith.constant 1000 : i32
    %lt3A_187 = vector.broadcast %lt3A_186 : i32 to vector<1x1024xi32>
    %lt3A_188 = arith.cmpi slt, %iota3A, %lt3A_187 : vector<1x1024xi32>
    %get3A_189 = arith.constant 3 : index
    %get3A_190 = arith.constant 0 : index
    %get3A_191 = arith.constant 0 : index
    %get3A_192 = vector.load %arg0[%get3A_189, %get3A_190, %get3A_191] : memref<4x1x1024xf32, #tpu.memory_space<vmem>>, vector<1x1x1024xf32>
    %get3A_193 = vector.shape_cast %get3A_192 : vector<1x1x1024xf32> to vector<1024xf32>
    %reshape3A_194 = vector.shape_cast %get3A_193 : vector<1024xf32> to vector<1x1024xf32>
    %jit3A_195 = arith.constant -1.000000e+00 : f32
    %broadcast_in_dim3A_196 = vector.broadcast %jit3A_195 : f32 to vector<1x1024xf32>
    %select_n3A_197 = arith.select %lt3A_188, %reshape3A_194, %broadcast_in_dim3A_196 : vector<1x1024xi1>, vector<1x1024xf32>
    %reshape3A_198 = vector.shape_cast %select_n3A_197 : vector<1x1024xf32> to vector<1024x1xf32>
    %gt3A_199 = vector.broadcast %select_n3A_197 : vector<1x1024xf32> to vector<1024x1024xf32>
    %gt3A_200 = vector.broadcast %reshape3A_198 : vector<1024x1xf32> to vector<1024x1024xf32>
    %gt3A_201 = arith.cmpf ogt, %gt3A_199, %gt3A_200 : vector<1024x1024xf32>
    %eq3A_202 = vector.broadcast %select_n3A_197 : vector<1x1024xf32> to vector<1024x1024xf32>
    %eq3A_203 = vector.broadcast %reshape3A_198 : vector<1024x1xf32> to vector<1024x1024xf32>
    %eq3A_204 = arith.cmpf oeq, %eq3A_202, %eq3A_203 : vector<1024x1024xf32>
    %lt3A_205 = vector.broadcast %iota3A : vector<1x1024xi32> to vector<1024x1024xi32>
    %lt3A_206 = vector.broadcast %iota3A_0 : vector<1024x1xi32> to vector<1024x1024xi32>
    %lt3A_207 = arith.cmpi slt, %lt3A_205, %lt3A_206 : vector<1024x1024xi32>
    %and3A_208 = arith.andi %eq3A_204, %lt3A_207 : vector<1024x1024xi1>
    %or3A_209 = arith.ori %gt3A_201, %and3A_208 : vector<1024x1024xi1>
    %convert_element_type3A_210 = arith.extui %or3A_209 : vector<1024x1024xi1> to vector<1024x1024xi32>
    %convert_element_type3A_211 = arith.sitofp %convert_element_type3A_210 : vector<1024x1024xi32> to vector<1024x1024xf32>
    %dot_general3A_212 = arith.constant dense<0.000000e+00> : vector<1024x128xf32>
    %dot_general3A_213 = tpu.matmul %convert_element_type3A_211, %broadcast_in_dim3A_3, %dot_general3A_212 {dimension_numbers = #tpu.dot_dimension_numbers<[1], [0], [0], [1], [0, 0, 1, 1], [], []>, transpose_lhs_hint = false} : vector<1024x1024xf32>, vector<1024x128xf32>, vector<1024x128xf32> -> vector<1024x128xf32>
    %slice3A_214 = vector.extract_strided_slice %dot_general3A_213 {offsets = [0, 0], sizes = [1024, 1], strides = [1, 1]} : vector<1024x128xf32> to vector<1024x1xf32>
    %reshape3A_215 = vector.shape_cast %slice3A_214 : vector<1024x1xf32> to vector<1x1024xf32>
    %eq3A_216 = vector.broadcast %convert_element_type3A : vector<64x1xf32> to vector<64x1024xf32>
    %eq3A_217 = vector.broadcast %reshape3A_215 : vector<1x1024xf32> to vector<64x1024xf32>
    %eq3A_218 = arith.cmpf oeq, %eq3A_216, %eq3A_217 : vector<64x1024xf32>
    %convert_element_type3A_219 = arith.extui %eq3A_218 : vector<64x1024xi1> to vector<64x1024xi32>
    %convert_element_type3A_220 = arith.sitofp %convert_element_type3A_219 : vector<64x1024xi32> to vector<64x1024xf32>
    %get3A_221 = arith.constant 3 : index
    %get3A_222 = arith.constant 0 : index
    %get3A_223 = arith.constant 0 : index
    %get3A_224 = vector.load %arg1[%get3A_221, %get3A_222, %get3A_223] : memref<4x1024x72xf32, #tpu.memory_space<vmem>>, vector<1x1024x72xf32>
    %get3A_225 = vector.shape_cast %get3A_224 : vector<1x1024x72xf32> to vector<1024x72xf32>
    %concatenate3A_226 = tpu.concatenate %convert_element_type3A_2, %reshape3A_198, %get3A_225 in 1 : vector<1024x1xf32>, vector<1024x1xf32>, vector<1024x72xf32> -> vector<1024x74xf32>
    %dot_general3A_227 = arith.constant dense<0.000000e+00> : vector<64x74xf32>
    %dot_general3A_228 = tpu.matmul %convert_element_type3A_220, %concatenate3A_226, %dot_general3A_227 {dimension_numbers = #tpu.dot_dimension_numbers<[1], [0], [0], [1], [0, 0, 1, 1], [], []>, precision = #tpu.contract_precision<fp32>, transpose_lhs_hint = false} : vector<64x1024xf32>, vector<1024x74xf32>, vector<64x74xf32> -> vector<64x74xf32>
    %slice3A_229 = vector.extract_strided_slice %dot_general3A_228 {offsets = [0, 0], sizes = [64, 1], strides = [1, 1]} : vector<64x74xf32> to vector<64x1xf32>
    %squeeze3A_230 = vector.shape_cast %slice3A_229 : vector<64x1xf32> to vector<64xf32>
    %convert_element_type3A_231 = arith.fptosi %squeeze3A_230 : vector<64xf32> to vector<64xi32>
    %slice3A_232 = vector.extract_strided_slice %dot_general3A_228 {offsets = [0, 1], sizes = [64, 1], strides = [1, 1]} : vector<64x74xf32> to vector<64x1xf32>
    %squeeze3A_233 = vector.shape_cast %slice3A_232 : vector<64x1xf32> to vector<64xf32>
    %slice3A_234 = vector.extract_strided_slice %dot_general3A_228 {offsets = [0, 2], sizes = [64, 72], strides = [1, 1]} : vector<64x74xf32> to vector<64x72xf32>
    %transpose3A_235 = tpu.transpose %slice3A_234, [1, 0] : vector<64x72xf32> -> vector<72x64xf32>
    %broadcast_in_dim3A_236 = vector.shape_cast %transpose3A_235 : vector<72x64xf32> to vector<72x64x1xf32>
    %broadcast_in_dim3A_237 = vector.shape_cast %transpose3A_235 : vector<72x64xf32> to vector<72x1x64xf32>
    %sub3A_238 = vector.broadcast %broadcast_in_dim3A_236 : vector<72x64x1xf32> to vector<72x64x64xf32>
    %sub3A_239 = vector.broadcast %broadcast_in_dim3A_237 : vector<72x1x64xf32> to vector<72x64x64xf32>
    %sub3A_240 = arith.subf %sub3A_238, %sub3A_239 : vector<72x64x64xf32>
    %abs3A_241 = math.absf %sub3A_240 : vector<72x64x64xf32>
    %reduce_sum3A_242 = arith.constant dense<0.000000e+00> : vector<64x64xf32>
    %reduce_sum3A_243 = vector.multi_reduction <add>, %abs3A_241, %reduce_sum3A_242 [0] : vector<72x64x64xf32> to vector<64x64xf32>
    %div3A_244 = arith.constant 7.200000e+01 : f32
    %div3A_245 = vector.broadcast %div3A_244 : f32 to vector<64x64xf32>
    %div3A_246 = arith.divf %reduce_sum3A_243, %div3A_245 : vector<64x64xf32>
    %swap3A_247 = arith.constant 3 : index
    %swap3A_248 = arith.constant 0 : index
    %swap3A_249 = arith.constant 0 : index
    %swap3A_250 = vector.load %arg4[%swap3A_247, %swap3A_248, %swap3A_249] : memref<4x64x64xf32, #tpu.memory_space<vmem>>, vector<1x64x64xf32>
    %swap3A_251 = vector.shape_cast %swap3A_250 : vector<1x64x64xf32> to vector<64x64xf32>
    %swap3A_252 = vector.shape_cast %div3A_246 : vector<64x64xf32> to vector<1x64x64xf32>
    tpu.vector_store %arg4[%swap3A_247, %swap3A_248, %swap3A_249], %swap3A_252 {strides = array<i32>} : memref<4x64x64xf32, #tpu.memory_space<vmem>>, vector<1x64x64xf32>,
    %stack3A = vector.shape_cast %convert_element_type3A_36 : vector<64xi32> to vector<1x64xi32>
    %stack3A_253 = vector.shape_cast %convert_element_type3A_97 : vector<64xi32> to vector<1x64xi32>
    %stack3A_254 = vector.shape_cast %convert_element_type3A_164 : vector<64xi32> to vector<1x64xi32>
    %stack3A_255 = vector.shape_cast %convert_element_type3A_231 : vector<64xi32> to vector<1x64xi32>
    %stack3A_256 = tpu.concatenate %stack3A, %stack3A_253, %stack3A_254, %stack3A_255 in 0 : vector<1x64xi32>, vector<1x64xi32>, vector<1x64xi32>, vector<1x64xi32> -> vector<4x64xi32>
    %swap3A_257 = arith.constant 0 : index
    %swap3A_258 = arith.constant 0 : index
    %swap3A_259 = arith.constant 0 : index
    %swap3A_260 = vector.load %arg2[%swap3A_257, %swap3A_258, %swap3A_259] : memref<4x1x64xi32, #tpu.memory_space<vmem>>, vector<4x1x64xi32>
    %swap3A_261 = vector.shape_cast %swap3A_260 : vector<4x1x64xi32> to vector<4x64xi32>
    %swap3A_262 = vector.shape_cast %stack3A_256 : vector<4x64xi32> to vector<4x1x64xi32>
    tpu.vector_store %arg2[%swap3A_257, %swap3A_258, %swap3A_259], %swap3A_262 {strides = array<i32>} : memref<4x1x64xi32, #tpu.memory_space<vmem>>, vector<4x1x64xi32>,
    %stack3A_263 = vector.shape_cast %squeeze3A_38 : vector<64xf32> to vector<1x64xf32>
    %stack3A_264 = vector.shape_cast %squeeze3A_99 : vector<64xf32> to vector<1x64xf32>
    %stack3A_265 = vector.shape_cast %squeeze3A_166 : vector<64xf32> to vector<1x64xf32>
    %stack3A_266 = vector.shape_cast %squeeze3A_233 : vector<64xf32> to vector<1x64xf32>
    %stack3A_267 = tpu.concatenate %stack3A_263, %stack3A_264, %stack3A_265, %stack3A_266 in 0 : vector<1x64xf32>, vector<1x64xf32>, vector<1x64xf32>, vector<1x64xf32> -> vector<4x64xf32>
    %iota3A_268 = tpu.iota {dimensions = array<i32: 1>} : vector<1x64xi32>
    %ge3A = arith.constant 4.000000e-01 : f32
    %ge3A_269 = vector.broadcast %ge3A : f32 to vector<4x64xf32>
    %ge3A_270 = arith.cmpf oge, %stack3A_267, %ge3A_269 : vector<4x64xf32>
    %convert_element_type3A_271 = arith.extui %ge3A_270 : vector<4x64xi1> to vector<4x64xi32>
    %convert_element_type3A_272 = arith.sitofp %convert_element_type3A_271 : vector<4x64xi32> to vector<4x64xf32>
    %scan3A = arith.constant 0 : i32
    %scan3A_273 = arith.constant 64 : i32
    %scan3A_274 = arith.addi %scan3A, %scan3A_273 : i32
    %scan3A_275 = arith.constant 1 : i32
    %scan3A_276 = scf.for %scan3A_298 = %scan3A to %scan3A_274 step %scan3A_275 iter_args(%scan3A_299 = %convert_element_type3A_272) -> (vector<4x64xf32>)  : i32 {
      %get3A_300 = arith.constant 0 : index
      %get3A_301 = arith.index_cast %scan3A_298 : i32 to index
      %get3A_302 = arith.constant 0 : index
      %get3A_303 = vector.load %arg4[%get3A_300, %get3A_301, %get3A_302] : memref<4x64x64xf32, #tpu.memory_space<vmem>>, vector<4x1x64xf32>
      %squeeze3A_304 = vector.shape_cast %get3A_303 : vector<4x1x64xf32> to vector<4x64xf32>
      %lt3A_305 = arith.constant 5.000000e+01 : f32
      %lt3A_306 = vector.broadcast %lt3A_305 : f32 to vector<4x64xf32>
      %lt3A_307 = arith.cmpf olt, %squeeze3A_304, %lt3A_306 : vector<4x64xf32>
      %gt3A_308 = vector.broadcast %scan3A_298 : i32 to vector<1x64xi32>
      %gt3A_309 = arith.cmpi sgt, %iota3A_268, %gt3A_308 : vector<1x64xi32>
      %and3A_310 = vector.broadcast %gt3A_309 : vector<1x64xi1> to vector<4x64xi1>
      %and3A_311 = arith.andi %lt3A_307, %and3A_310 : vector<4x64xi1>
      %convert_element_type3A_312 = arith.extui %and3A_311 : vector<4x64xi1> to vector<4x64xi32>
      %convert_element_type3A_313 = arith.sitofp %convert_element_type3A_312 : vector<4x64xi32> to vector<4x64xf32>
      %eq3A_314 = vector.broadcast %scan3A_298 : i32 to vector<1x64xi32>
      %eq3A_315 = arith.cmpi eq, %iota3A_268, %eq3A_314 : vector<1x64xi32>
      %jit3A_316 = arith.constant 0.000000e+00 : f32
      %broadcast_in_dim3A_317 = vector.shape_cast %eq3A_315 : vector<1x64xi1> to vector<1x64xi1>
      %broadcast_in_dim3A_318 = vector.broadcast %broadcast_in_dim3A_317 : vector<1x64xi1> to vector<4x64xi1>
      %broadcast_in_dim3A_319 = vector.broadcast %jit3A_316 : f32 to vector<4x64xf32>
      %select_n3A_320 = arith.select %broadcast_in_dim3A_318, %scan3A_299, %broadcast_in_dim3A_319 : vector<4x64xi1>, vector<4x64xf32>
      %reduce_sum3A_321 = arith.constant dense<0.000000e+00> : vector<4xf32>
      %reduce_sum3A_322 = vector.multi_reduction <add>, %select_n3A_320, %reduce_sum3A_321 [1] : vector<4x64xf32> to vector<4xf32>
      %broadcast_in_dim3A_323 = vector.shape_cast %reduce_sum3A_322 : vector<4xf32> to vector<4x1xf32>
      %mul3A = vector.broadcast %broadcast_in_dim3A_323 : vector<4x1xf32> to vector<4x64xf32>
      %mul3A_324 = arith.mulf %mul3A, %convert_element_type3A_313 : vector<4x64xf32>
      %sub3A_325 = arith.constant 1.000000e+00 : f32
      %sub3A_326 = vector.broadcast %sub3A_325 : f32 to vector<4x64xf32>
      %sub3A_327 = arith.subf %sub3A_326, %mul3A_324 : vector<4x64xf32>
      %mul3A_328 = arith.mulf %scan3A_299, %sub3A_327 : vector<4x64xf32>
      scf.yield %mul3A_328 : vector<4x64xf32>
    }
    %scan3A_277 = arith.constant 64 : i32
    %iota3A_278 = tpu.iota {dimensions = array<i32: 0>} : vector<64x64xi32>
    %iota3A_279 = tpu.iota {dimensions = array<i32: 1>} : vector<64x64xi32>
    %le3A = arith.cmpi sle, %iota3A_278, %iota3A_279 : vector<64x64xi32>
    %convert_element_type3A_280 = arith.extui %le3A : vector<64x64xi1> to vector<64x64xi32>
    %convert_element_type3A_281 = arith.sitofp %convert_element_type3A_280 : vector<64x64xi32> to vector<64x64xf32>
    %dot_general3A_282 = arith.constant dense<0.000000e+00> : vector<4x64xf32>
    %dot_general3A_283 = tpu.matmul %scan3A_276, %convert_element_type3A_281, %dot_general3A_282 {dimension_numbers = #tpu.dot_dimension_numbers<[1], [0], [0], [1], [0, 0, 1, 1], [], []>, transpose_lhs_hint = false} : vector<4x64xf32>, vector<64x64xf32>, vector<4x64xf32> -> vector<4x64xf32>
    %gt3A_284 = arith.constant 0.000000e+00 : f32
    %gt3A_285 = vector.broadcast %gt3A_284 : f32 to vector<4x64xf32>
    %gt3A_286 = arith.cmpf ogt, %scan3A_276, %gt3A_285 : vector<4x64xf32>
    %le3A_287 = arith.constant 8.000000e+00 : f32
    %le3A_288 = vector.broadcast %le3A_287 : f32 to vector<4x64xf32>
    %le3A_289 = arith.cmpf ole, %dot_general3A_283, %le3A_288 : vector<4x64xf32>
    %and3A_290 = arith.andi %gt3A_286, %le3A_289 : vector<4x64xi1>
    %convert_element_type3A_291 = arith.extui %and3A_290 : vector<4x64xi1> to vector<4x64xi32>
    %swap3A_292 = arith.constant 0 : index
    %swap3A_293 = arith.constant 0 : index
    %swap3A_294 = arith.constant 0 : index
    %swap3A_295 = vector.load %arg3[%swap3A_292, %swap3A_293, %swap3A_294] : memref<4x1x64xi32, #tpu.memory_space<vmem>>, vector<4x1x64xi32>
    %swap3A_296 = vector.shape_cast %swap3A_295 : vector<4x1x64xi32> to vector<4x64xi32>
    %swap3A_297 = vector.shape_cast %convert_element_type3A_291 : vector<4x64xi32> to vector<4x1x64xi32>
    tpu.vector_store %arg3[%swap3A_292, %swap3A_293, %swap3A_294], %swap3A_297 {strides = array<i32>} : memref<4x1x64xi32, #tpu.memory_space<vmem>>, vector<4x1x64xi32>,
    return
  }
}

</mosaic_0001>

<sc_bundles>
// kernel: kernel.5.cloned.1.call-start
scs
__scs_entry_jumppad:
0x0: {  	(pc) =	sbr.rel $0x88, $3  }
0x1: {  	(tag) =	ssettag $0x0;
	lr =	simm.s32 $0x1  }
0x2: {  	[smem:$0x3F99] =	sst lr;
	_ =	strace $0xD0000000  }
0x3: {  	_ = 	snop  }
0x4: {  	_ = 	snop  }
0x5: {  	_ = 	snop  }
0x6: {  	_ = 	snop  }
0x7: {  	_ = 	snop  }
__scs_overlays_trampoline_lowered:
0x8: {  	[smem:$0x3FA8] =	sst s0  }
0x9: {  	[smem:$0x3FA9] =	sst s1  }
0xa: {  	[smem:$0x3FAA] =	sst s2  }
0xb: {  	[smem:$0x3FAB] =	sst s3  }
0xc: {  	[smem:$0x3FAC] =	sst s4  }
0xd: {  	[smem:$0x3FAD] =	sst s5  }
0xe: {  	[smem:$0x3FAE] =	sst s6  }
0xf: {  	[smem:$0x3FAF] =	sst s7  }
0x10: {  	[smem:$0x3FB0] =	sst s8  }
0x11: {  	[smem:$0x3FB1] =	sst s9;
	s0 =	simm.s32 @!p0 $0x0  }
0x12: {  	s1 =	sld [smem:$0x3F97];
	s0 =	simm.s32 @p0 $0x1  }
0x13: {  	[smem:$0x3FB2] =	sst s0;
	s0 =	simm.s32 @!p1 $0x0  }
0x14: {  	s2 =	sld [smem:$0x3F96];
	s0 =	simm.s32 @p1 $0x1  }
0x15: {  	[smem:$0x3FB3] =	sst s0;
	s0 =	simm.s32 @!p2 $0x0  }
0x16: {  	s3 =	sld [smem:$0x3FDB];
	s0 =	simm.s32 @p2 $0x1  }
0x17: {  	s4 =	simm.s32 $0x1BF5;
	[smem:$0x3FB5] =	sst s0  }
0x18: {  	s0 =	sld [smem:$0x3F98];
	_ =	swait.ge [sflag:s4], $0x0  }
0x19: {  	s7 =	sld [smem:$0x3F99]  }
0x1a: {  	s8 =	sadd.s32 $0xFFFFE003, lr  }
0x1b: {  	s9 =	sadd.s32 $0xFFFFFEF7, lr;
	s5 =	simm.s32 $0xFFFFFFFF;
	p2 =	slt.u32 s8, $0xFFFFF086  }
0x1c: {  	p1 =	slt.u32 s9, $0xF7A;
	s5 =	simm.s32 @!p2 $0x0  }
0x1d: {  	s5 =	simm.s32 @p1 $0x1;
	p0 =	seq.s32 s7, s2  }
0x1e: {  	s7 =	smul.u32 @!p0 $0xF7A, s2;
	p2 =	seq.s32 @!p0 s5, $0x0  }
0x1f: {  	s9 =	smul.u32 $0xF7A, s1;
	s8 =	simm.s32 @!p0 $0x1BF5;
	p2 =	por !p2, p0  }
0x20: {  	[sflag:s8] =	ssyncset.s32 @!p0 $0xFFFFF086;
	s6 =	sadd.s32 @!p0 s3, s7;
	s7 =	simm.s32 @!p0 $0x108  }
0x21: {  	s3 =	sadd.s32 s3, s9;
	s6 =	sadd.s32 @!p0 $0x88, s6;
	s7 =	simm.s32 @p2 $0x1082  }
0x22: {  	[simem:s7], [sflag:s8] =	dma.local @!p0 [hbm:s6], $0xF7A  }
0x23: {  	s9 =	sor.u32 $0xD0000000, s2;
	s6 =	simm.s32 $0x108;
	_ =	swait.ge @!p0 [sflag:s8], $0x0  }
0x24: {  	s3 =	sadd.s32 $0x88, s3;
	s6 =	simm.s32 @!p1 $0x1082;
	[sflag:s4] =	ssyncset.s32 $0xFFFFF086  }
0x25: {  	[simem:s6], [sflag:s4] =	dma.local [hbm:s3], $0xF7A  }
0x26: {  	[smem:$0x3F99] =	sst s1;
	(tag) =	ssettag s2;
	_ =	strace s9  }
0x27: {  	s1 =	sld [smem:$0x3FA9]  }
0x28: {  	s2 =	sld [smem:$0x3FAA]  }
0x29: {  	s4 =	sld [smem:$0x3FAC]  }
0x2a: {  	p0 =	seq.s32 s5, $0x0;
	s5 =	sld [smem:$0x3FAD]  }
0x2b: {  	s6 =	sld [smem:$0x3FAE]  }
0x2c: {  	s7 =	sld [smem:$0x3FAF]  }
0x2d: {  	s3 =	simm.s32 $0x108;
	s8 =	sld [smem:$0x3FB0]  }
0x2e: {  	s3 =	simm.s32 @!p0 $0x1082;
	s9 =	sld [smem:$0x3FB1]  }
0x2f: {  	lr =	sadd.s32 s0, s3;
	s0 =	sld [smem:$0x3FA8]  }
0x30: {  	s3 =	sld [smem:$0x3FAB]  }
0x31: {  	[smem:$0x3FB4] =	sst s10  }
0x32: {  	s10 =	sld [smem:$0x3FB2];
	_ =	sdelay $0x3  }
0x33: {  	p0 =	seq.s32 s10, $0x1;
	s10 =	sld [smem:$0x3FB4];
	_ =	sdelay $0x3  }
0x34: {  	[smem:$0x3FB4] =	sst s10  }
0x35: {  	s10 =	sld [smem:$0x3FB3];
	_ =	sdelay $0x3  }
0x36: {  	p1 =	seq.s32 s10, $0x1;
	s10 =	sld [smem:$0x3FB4];
	_ =	sdelay $0x3  }
0x37: {  	[smem:$0x3FB4] =	sst s10  }
0x38: {  	s10 =	sld [smem:$0x3FB5]  }
0x39: {  	_ = 	snop;
	(pc) =	sbr.ind lr, $3  }
0x3a: {  	_ = 	snop  }
0x3b: {  	_ = 	snop  }
0x3c: {  	p2 =	seq.s32 s10, $0x1;
	s10 =	sld [smem:$0x3FB4]  }
0x3d: {  	_ =	shalt  }
0x3e: {  	_ =	shalt  }
0x3f: {  	_ =	shalt  }
0x40: {  	_ =	shalt  }
0x41: {  	_ =	shalt  }
0x42: {  	_ =	shalt  }
0x43: {  	_ =	shalt  }
0x44: {  	_ =	shalt  }
0x45: {  	_ =	shalt  }
0x46: {  	_ =	shalt  }
0x47: {  	_ =	shalt  }
0x48: {  	_ =	shalt  }
0x49: {  	_ =	shalt  }
0x4a: {  	_ =	shalt  }
0x4b: {  	_ =	shalt  }
0x4c: {  	_ =	shalt  }
0x4d: {  	_ =	shalt  }
0x4e: {  	_ =	shalt  }
0x4f: {  	_ =	shalt  }
0x50: {  	_ =	shalt  }
0x51: {  	_ =	shalt  }
0x52: {  	_ =	shalt  }
0x53: {  	_ =	shalt  }
0x54: {  	_ =	shalt  }
0x55: {  	_ =	shalt  }
0x56: {  	_ =	shalt  }
0x57: {  	_ =	shalt  }
0x58: {  	_ =	shalt  }
0x59: {  	_ =	shalt  }
0x5a: {  	_ =	shalt  }
0x5b: {  	_ =	shalt  }
0x5c: {  	_ =	shalt  }
0x5d: {  	_ =	shalt  }
0x5e: {  	_ =	shalt  }
0x5f: {  	_ =	shalt  }
0x60: {  	_ =	shalt  }
0x61: {  	_ =	shalt  }
0x62: {  	_ =	shalt  }
0x63: {  	_ =	shalt  }
0x64: {  	_ =	shalt  }
0x65: {  	_ =	shalt  }
0x66: {  	_ =	shalt  }
0x67: {  	_ =	shalt  }
0x68: {  	_ =	shalt  }
0x69: {  	_ =	shalt  }
0x6a: {  	_ =	shalt  }
0x6b: {  	_ =	shalt  }
0x6c: {  	_ =	shalt  }
0x6d: {  	_ =	shalt  }
0x6e: {  	_ =	shalt  }
0x6f: {  	_ =	shalt  }
0x70: {  	_ =	shalt  }
0x71: {  	_ =	shalt  }
0x72: {  	_ =	shalt  }
0x73: {  	_ =	shalt  }
0x74: {  	_ =	shalt  }
0x75: {  	_ =	shalt  }
0x76: {  	_ =	shalt  }
0x77: {  	_ =	shalt  }
0x78: {  	_ =	shalt  }
0x79: {  	_ =	shalt  }
0x7a: {  	_ =	shalt  }
0x7b: {  	_ =	shalt  }
0x7c: {  	_ =	shalt  }
0x7d: {  	_ =	shalt  }
0x7e: {  	_ =	shalt  }
0x7f: {  	_ =	shalt  }
0x80: {  	_ =	shalt  }
0x81: {  	_ =	shalt  }
0x82: {  	_ =	shalt  }
0x83: {  	_ =	shalt  }
0x84: {  	_ =	shalt  }
0x85: {  	_ =	shalt  }
0x86: {  	_ =	shalt  }
0x87: {  	_ =	shalt  }
.Lfunc_end0:
.L_simem_size_0:
called_computation_lowered:
.L_overlay_start_0:
0x88: {  	s2 =	sld [smem:$0x3FD9]  }
0x89: {  	s3 =	sld [smem:$0x3FFE];
	_ =	sdelay $0x1  }
0x8a: {  	s1 =	srdreg.scid  }
0x8b: {  	s0 =	sand.u32 $0x1, s1  }
0x8c: {  	s14 =	sshll.u32 s0, $0xA;
	s2 =	sadd.s32 s3, s2  }
0x8d: {  	s2 =	sadd.s32 s2, s14  }
0x8e: {  	[smem:$0x3FC0] =	sst s2  }
0x8f: {  	_ = 	snop  }
0x90: {  	s2 =	sld [smem:$0x3FD0];
	_ =	sdelay $0x2  }
0x91: {  	s15 =	simm.s32 $0xA;
	s4 =	simm.s32 $0x10  }
0x92: {  	[smem:s4], [sflag:s15] =	dma.local [hbm:s2], $0x1  }
0x93: {  	_ =	swait.eq [sflag:s15], $0x1  }
0x94: {  	[sflag:s15] =	ssyncset.done $0x0  }
0x95: {  	[sflag:s15] =	ssyncadd.s32 $0xFFFFFFFF  }
0x96: {  	s16 =	sld [smem:$0x13];
	(tm) =	ssettm $0x1  }
0x97: {  	s17 =	sld [smem:$0x3FFB];
	_ =	sdelay $0x3  }
0x98: {  	_ =	strace s17  }
0x99: {  	s3 =	sld [smem:$0x3FFC];
	_ =	sdelay $0x3  }
0x9a: {  	_ =	strace s3  }
0x9b: {  	s3 =	sld [smem:$0x3FFD];
	_ =	sdelay $0x3  }
0x9c: {  	_ =	strace s3  }
0x9d: {  	_ =	strace $0x8FFFFFFF  }
0x9e: {  	s18 =	sld [smem:$0x3FDB];
	_ =	sdelay $0x1  }
0x9f: {  	s19 =	simm.s32 $_scs_section_size  }
0xa0: {  	s5 =	simm.s32 $_size__tile_overlayer_lowered;
	s6 =	simm.s32 $_tile_overlayer_lowered  }
0xa1: {  	s22 =	simm.s32 $0x1BFF;
	s21 =	sshll.u32 s6, $0x1;
	s3 =	sadd.s32 s19, s18  }
0xa2: {  	s7 =	simm.s32 $0x0;
	s20 =	sshll.u32 s5, $0x1;
	s5 =	sadd.s32 s21, s3  }
0xa3: {  	[timem:s7], [sflag:s22] =	dma.local [hbm:s5], s20  }
0xa4: {  	_ =	swait.ge [sflag:s22], s20  }
0xa5: {  	s4 =	ssub.s32 $0x0, s20;
	[sflag:s22] =	ssyncset.done $0x0  }
0xa6: {  	[sflag:s22] =	ssyncadd.s32 s4;
	_ =	sdelay $0x1  }
0xa7: {  	s23 =	simm.s32 $0x1B8B  }
0xa8: {  	_ =	swait.ge [sflag:s23], $0x1  }
0xa9: {  	[sflag:s23] =	ssyncset.done $0x0  }
0xaa: {  	s25 =	simm.s32 $0x1B8E;
	s24 =	sld [smem:$0x3FFE];
	[sflag:s23] =	ssyncadd.s32 $0xFFFFFFFF  }
0xab: {  	s26 =	simm.s32 $execute0_lowered;
	[smem:$0x3FD2] =	sst s25  }
0xac: {  	s5 =	sshll.u32 s26, $0x1;
	_ =	strace $0x80000046;
	[dreg:$0x1] =	wrdreg $0xFFFFFFFF  }
0xad: {  	s28 =	simm.s32 $_size_execute0_lowered;
	s3 =	sadd.s32 s3, s5;
	[dreg:$0x0] =	wrdreg $0x0  }
0xae: {  	s5 =	sshll.u32 s28, $0x1;
	[dreg:$0x2] =	wrdreg s3  }
0xaf: {  	[dreg:$0x3] =	wrdreg s5  }
0xb0: {  	[dreg:$0x4] =	wrdreg $0xC0  }
0xb1: {  	_ =	task [dreg:s7], $0x5FFFF  }
0xb2: {  	[dreg:$0x1] =	wrdreg $0xFFFFFFFF  }
0xb3: {  	[dreg:$0x0] =	wrdreg $0x60  }
0xb4: {  	[dreg:$0x2] =	wrdreg s24  }
0xb5: {  	[dreg:$0x3] =	wrdreg s16  }
0xb6: {  	[dreg:$0x4] =	wrdreg $0xD2000  }
0xb7: {  	[dreg:$0x5] =	wrdreg $0x9  }
0xb8: {  	_ =	task.clear_ibuf [dreg:s7], $0x6FFFF;
	_ =	strace $0x90000046  }
0xb9: {  	s29 =	simm.s32 $0x9;
	_ =	strace $0x80000048  }
0xba: {  	_ =	swait.ge [sflag:s29], $0x1  }
0xbb: {  	[sflag:s29] =	ssyncadd.s32 $0xFFFFFFFF  }
0xbc: {  	_ =	strace $0x90000048  }
0xbd: {  	_ =	sfence  }
0xbe: {  	s30 =	sld [smem:$0x0];
	_ =	sdelay $0x2  }
0xbf: {  	s31 =	sshll.u32 s1, $0xD;
	s1 =	sshrl.u32 s1, $0x2  }
0xc0: {  	s3 =	sand.u32 $0x4000, s31;
	s1 =	sadd.s32 s1, s30  }
0xc1: {  	s0 =	sor.u32 s3, s0;
	s1 =	sshll.u32 s1, $0x11  }
0xc2: {  	s0 =	sor.u32 s1, s0  }
0xc3: {  	s0 =	sadd.s32 $0x8F2B, s0  }
0xc4: {  	[sflag:s0] =	ssyncadd.remote.s32 $0x1  }
0xc5: {  	_ =	sfence.sel $0xFFFF  }
0xc6: {  	[dreg:$0x0] =	wrdreg $0xFFFFFFFF;
	(pc) =	sbr.abs _section_cstart, $3  }
0xc7: {  	[dreg:$0x1] =	wrdreg $0xFFFFFFFF  }
0xc8: {  	_ =	task.clear_ibuf [dreg:s7], $0x2FFFF;
	_ =	strace $0x9FFFFFFF  }
0xc9: {  	(tm) =	ssettm $0x7FFFFFFF  }
tec
execute0_lowered:
.L_overlay_start_1:
0x0: {  	(tag) =	ssettag $0x1  }
0x1: {  	s4 =	rddreg [dreg:$0x0]  }
0x2: {  	s7 =	rddreg [dreg:$0x1]  }
0x3: {  	s2 =	rddreg [dreg:$0x2]  }
0x4: {  	s0 =	rddreg [dreg:$0x3]  }
0x5: {  	s3 =	simm.s32 $0x0;
	s1 =	stileid.u32;
	s6 =	srdreg.scid  }
0x6: {  	s13 =	simm.s32 $0x1200;
	s14 =	simm.s32 $0x3200;
	s15 =	simm.s32 $0x100  }
0x7: {  	s16 =	simm.s32 $0x5200;
	s17 =	simm.s32 $0x180;
	s18 =	simm.s32 $0x7200  }
0x8: {  	s19 =	simm.s32 $0x40;
	s20 =	simm.s32 $0xB;
	s21 =	simm.s32 $0xC  }
0x9: {  	s22 =	simm.s32 $0x0;
	[smem:$0x7FF] =	sst s3;
	s5 =	smul.u32 $0xFA00, s1  }
0xa: {  	s6 =	sand.u32 $0x1, s6;
	s9 =	sshll.u32 s1, $0x1;
	s31 =	sshll.u32 s1, $0x6  }
0xb: {  	_ =	strace $0x80000047;
	s10 =	ssub.s32 $0x2, s6;
	s9 =	sor.u32 s6, s9  }
0xc: {  	s6 =	sor.u32 $0x1C0D, s31;
	s8 =	sshrl.u32 s5, $0x3;
	s30 =	sshrl.u32 s10, $0x1  }
0xd: {  	s11 =	smul.u32 $0x240, s9;
	s12 =	sadd.s32 s5, s2;
	s8 =	sadd.s32 s8, s4  }
0xe: {  	s4 =	sadd.s32 $0x21C00, s4;
	s10 =	ssub.s32 s10, s30;
	s5 =	sadd.s32 $0x2800, s8  }
0xf: {  	s7 =	sadd.s32 s7, s11;
	s8 =	smul.u32 $0x48000, s9;
	s9 =	smax.u32 s10, $0x1  }
0x10: {  	s10 =	sshrl.u32 s12, $0x3;
	s11 =	simm.s32 $0xD;
	s12 =	simm.s32 $0x80  }
.LBB2_1:
0x11: {  	[spmem:s10], [sflag:s6] =	dma.local [hbm:s5], $0x1F40  }
0x12: {  	_ =	swait.ge [sflag:s11], $0x1F40  }
0x13: {  	[sflag:s11] =	ssyncset.done $0x0  }
0x14: {  	[sflag:s11] =	ssyncadd.s32 $0xFFFFE0C0  }
0x15: {  	[tilespmem:s3], [sflag:$0xD] =	stream.linear.gather [hbm4b:s7+s3], $0x1200, $0x38;
	[tilespmem:$0x1CC00] =	vst v63  }
0x16: {  	_ =	swait.ge [sflag:s11], $0x1200  }
0x17: {  	[sflag:s11] =	ssyncset.done $0x0  }
0x18: {  	[sflag:s11] =	ssyncadd.s32 $0xFFFFEE00  }
0x19: {  	[bflag:$0x0] =	sbarrier.arrive $0xFFFF  }
0x1a: {  	[tilespmem:s13], [sflag:$0x1] =	stream.indirect.gather [spmem:s2], $0x40, s3, s12, $0xb8;
	[tilespmem:$0x1CC00] =	vst v63  }
0x1b: {  	_ = 	snop  }
0x1c: {  	[tilespmem:s14], [sflag:$0x2] =	stream.indirect.gather [spmem:s2], $0x40, s12, s12, $0xb8;
	[tilespmem:$0x1CC00] =	vst v63  }
0x1d: {  	s23 =	simm.s32 $0x200  }
0x1e: {  	[tilespmem:s16], [sflag:$0x3] =	stream.indirect.gather [spmem:s2], $0x40, s15, s12, $0xb8;
	[tilespmem:$0x1CC00] =	vst v63  }
0x1f: {  	s24 =	simm.s32 $0x0;
	s25 =	simm.s32 $0x0;
	s26 =	simm.s32 $0x0  }
0x20: {  	[tilespmem:s18], [sflag:$0x4] =	stream.indirect.gather [spmem:s2], $0x40, s17, s12, $0xb8;
	[tilespmem:$0x1CC00] =	vst v63  }
.LBB2_2:
0x21: {  	s28 =	smul.u32 $0xAB, s26;
	_ =	sdelay $0x1  }
0x22: {  	s29 =	sshrl.u32 s28, $0xA  }
0x23: {  	s29 =	sand.u32 $0x3F, s29  }
0x24: {  	s29 =	smul.u32 $0x6, s29  }
0x25: {  	s28 =	sadd.s32 $0x2AC, s28  }
0x26: {  	s28 =	sshrl.u32 s28, $0xA;
	s29 =	ssub.s32 s26, s29  }
0x27: {  	s28 =	sand.u32 $0x3F, s28;
	s29 =	sand.u32 $0xFF, s29  }
0x28: {  	s28 =	smul.u32 $0x6, s28;
	s30 =	sadd.s32 $0x1, s29  }
0x29: {  	_ =	swait.ge [sflag:s30], $0x2000  }
0x2a: {  	s31 =	sand.u32 $0x7C000, s24;
	s28 =	ssub.s32 s26, s28;
	[sflag:s30] =	ssyncset.done $0x0  }
0x2b: {  	[sflag:s30] =	ssyncadd.s32 $0xFFFFE000;
	s30 =	sadd.s32 s8, s31;
	s31 =	sand.u32 $0x40, s25  }
0x2c: {  	p0 =	slt.u32 s26, $0x2;
	s28 =	sadd.s32 $0x4, s28;
	s30 =	sor.u32 s31, s30  }
0x2d: {  	s31 =	sadd.s32 $0x7, s29;
	s29 =	sshll.u32 s29, $0xD;
	s30 =	sshrl.u32 s30, $0x3  }
0x2e: {  	s28 =	sand.u32 $0xFF, s28;
	s29 =	sor.u32 $0x1200, s29;
	s30 =	sadd.s32 s4, s30  }
0x2f: {  	[hbm4b:s30+s19] =	stream.strided.scatter [tilespmem:s29], [sflag:s31], $0x2000, s12, s19, $0x38;
	[tilespmem:$0x1CC00] =	vst v63  }
0x30: {  	s29 =	sadd.s32 @!p0 $0x7, s28  }
0x31: {  	_ =	swait.ge @!p0 [sflag:s29], $0x2000  }
0x32: {  	p1 =	sgt.u32 @!p0 s26, $0x1F;
	s26 =	sadd.s32 $0x1, s26;
	[sflag:s29] =	ssyncset.done @!p0 $0x0  }
0x33: {  	p1 =	por p0, !p1;
	[sflag:s29] =	ssyncadd.s32 @!p0 $0xFFFFE000;
	p0 =	sne.s32 s26, $0x24  }
.Ltmp0:
0x34: {  	_ = 	snop;
	(pc) =	sbr.rel @p0 .LBB2_2-.Ltmp0, $4  }
0x35: {  	s29 =	sshll.u32 @p1 s28, $0xD  }
0x36: {  	s28 =	sadd.s32 @p1 $0x1, s28;
	s29 =	sor.u32 @p1 $0x1200, s29  }
0x37: {  	[tilespmem:s29], [sflag:s28] =	stream.indirect.gather @p1 [spmem:s2], $0x40, s23, s12, $0xb8;
	[tilespmem:$0x1CC00] =	vst v63  }
0x38: {  	s24 =	sadd.s32 $0x2000, s24;
	s25 =	sadd.s32 $0x40, s25;
	s23 =	sadd.s32 $0x80, s23  }
0x39: {  	s22 =	sadd.s32 $0x1, s22  }
0x3a: {  	_ =	swait.ge [sflag:s20], $0x2000;
	p0 =	sne.s32 s22, s9  }
.Ltmp1:
0x3b: {  	[sflag:s20] =	ssyncset.done $0x0;
	(pc) =	sbr.rel @p0 .LBB2_1-.Ltmp1, $4  }
0x3c: {  	[sflag:s20] =	ssyncadd.s32 $0xFFFFE000  }
0x3d: {  	_ =	swait.ge [sflag:s21], $0x2000  }
0x3e: {  	[sflag:s21] =	ssyncset.done $0x0  }
0x3f: {  	[sflag:s21] =	ssyncadd.s32 $0xFFFFE000  }
0x40: {  	_ =	sfence.sel $0x180000  }
0x41: {  	[bflag:$0x0] =	sbarrier.arrive $0xFFFF  }
0x42: {  	p0 =	sne.s32 s1, $0x0;
	_ =	strace $0x90000047  }
0x43: {  	s0 =	sadd.s32 @!p0 $0x100000, s0;
	[bflag:$0x2] =	sbarrier.arrive $0xFFFF  }
0x44: {  	[sflag:s0] =	ssyncadd.tile.s32 @!p0 $0x1;
	_ =	shalt  }
.Lfunc_end2:
_tile_overlayer_lowered:
.L_overlay_start_2:
0x45: {  	(tag) =	ssettag $0x2  }
0x46: {  	s0 =	rddreg [dreg:$0x0];
	s2 =	stileid.u32  }
0x47: {  	s1 =	rddreg [dreg:$0x1];
	p0 =	sne.s32 s2, $0x0  }
0x48: {  	s3 =	rddreg [dreg:$0x2];
	[bflag:$0x3] =	sbarrier.arrive $0xFFFF;
	s2 =	simm.s32 @!p0 $0x1C0D  }
0x49: {  	[timem:s3], [sflag:s2] =	dma.local @!p0 [hbm:s0], s1  }
0x4a: {  	s0 =	simm.s32 @!p0 $0xD  }
0x4b: {  	_ =	swait.ge @!p0 [sflag:s0], s1  }
0x4c: {  	s1 =	ssub.s32 @!p0 $0x0, s1;
	[sflag:s0] =	ssyncset.done @!p0 $0x0  }
0x4d: {  	[sflag:s0] =	ssyncadd.s32 @!p0 s1  }
0x4e: {  	[bflag:$0x3] =	sbarrier.arrive $0xFFFF  }
0x4f: {  	_ =	shalt  }

</sc_bundles>
